<compile_context>
chip_gen: v7x
topology: tpu7x:2x2x1
jax: 0.10.2.dev20260603
libtpu: 0.0.44.dev20260713+nightly
codegen_flags: <defaults>
</compile_context>

<pallas_src>
import functools

import jax
import jax.numpy as jnp
from jax import lax
from jax.experimental import pallas as pl
from jax.experimental.pallas import tpu as pltpu
from jax.experimental.pallas import tpu_sc as plsc

EPS = 1e-6
NC = 2
NS = 16
K = 128


def _bcos_block(xb, w):
    lin = lax.dot_general(xb, w, (((1,), (1,)), ((), ())),
                          preferred_element_type=jnp.float32)
    nx2 = jnp.square(jnp.maximum(
        jnp.sqrt(jnp.sum(xb * xb, axis=1, keepdims=True)), 1e-12))
    nw2 = jnp.square(jnp.maximum(
        jnp.sqrt(jnp.sum(w * w, axis=1, keepdims=True)), 1e-12))
    denom2 = lax.dot_general(nx2, nw2, (((1,), (1,)), ((), ())),
                             preferred_element_type=jnp.float32)
    cos = jnp.maximum(lin / jnp.sqrt(denom2), EPS)
    return lin * cos


def _tc1_body(x_ref, wn_ref, ws_ref, m_ref, s_ref):
    xb = x_ref[...]
    m_ref[...] = _bcos_block(xb, wn_ref[...])
    s_ref[...] = lax.dot_general(xb, ws_ref[...], (((1,), (1,)), ((), ())),
                                 preferred_element_type=jnp.float32)


def _tc2_body(p0_ref, p1_ref, d0_ref, d1_ref, s1_ref, wn_ref, ws_ref,
              m_ref, s_ref):
    deg = jnp.maximum(d0_ref[:, 0:1] + d1_ref[:, 0:1], 1.0)
    agg = (p0_ref[...] + p1_ref[...]) / deg
    h = jnp.maximum(agg + s1_ref[...], 0.0)
    m_ref[...] = _bcos_block(h, wn_ref[...])
    s_ref[...] = lax.dot_general(h, ws_ref[...], (((1,), (1,)), ((), ())),
                                 preferred_element_type=jnp.float32)


def _tc3_body(p0_ref, p1_ref, d0_ref, d1_ref, s2_ref, o_ref):
    deg = jnp.maximum(d0_ref[:, 0:1] + d1_ref[:, 0:1], 1.0)
    o_ref[...] = (p0_ref[...] + p1_ref[...]) / deg + s2_ref[...]


def _row_block(n):
    for b in (2048, 2000, 1024, 1000, 512, 500, 400, 256, 200, 128, 80, 64,
              40, 32, 16, 8):
        if n % b == 0:
            return b
    return n


def _sc_mesh():
    return plsc.VectorSubcoreMesh(core_axis_name="c", subcore_axis_name="s")


def _make_sc_scatter(npad, cpw):
    assert cpw % 2 == 1
    rps = npad // NS
    nb = rps // K

    @functools.partial(
        pl.kernel, mesh=_sc_mesh(),
        out_type=[jax.ShapeDtypeStruct((NC, npad, 128), jnp.float32)],
        scratch_types=[
            pltpu.VMEM((K,), jnp.int32),
            pltpu.VMEM((K,), jnp.int32),
            pltpu.VMEM((K,), jnp.int32),
            pltpu.VMEM((K,), jnp.int32),
            pltpu.VMEM((K, 128), jnp.float32),
            pltpu.VMEM((K, 128), jnp.float32),
            pltpu.VMEM_SHARED((npad, 128), jnp.float32),
            pltpu.SemaphoreType.DMA,
            pltpu.SemaphoreType.DMA,
            pltpu.SemaphoreType.DMA,
            pltpu.SemaphoreType.DMA,
            pltpu.SemaphoreType.DMA,
            pltpu.SemaphoreType.DMA,
        ])
    def sc_fn(m_hbm, row_hbm, col_hbm, z_hbm, out_hbm,
              colv0, rowv0, colv1, rowv1, rows0, rows1, acc,
              sc0, sr0, sg0, sc1, sr1, sg1):
        cid = lax.axis_index("c")
        sid = lax.axis_index("s")
        wid = sid * NC + cid
        bufs = ((colv0, rowv0, rows0, sc0, sr0, sg0),
                (colv1, rowv1, rows1, sc1, sr1, sg1))

        pltpu.sync_copy(z_hbm, rows0)

        def zb(i, c):
            off = pl.multiple_of(sid * rps + i * K, K)
            pltpu.sync_copy(rows0, acc.at[pl.ds(off, K)])
            return c
        lax.fori_loop(0, nb, zb, 0)
        plsc.subcore_barrier()

        base = wid * cpw

        def start_idx(j, b):
            cv, rv, _, sc, sr, _ = bufs[b]
            off = pl.multiple_of((base + j) * K, K)
            pltpu.async_copy(col_hbm.at[pl.ds(off, K)], cv, sc)
            pltpu.async_copy(row_hbm.at[pl.ds(off, K)], rv, sr)

        def wait_idx(j, b):
            cv, rv, _, sc, sr, _ = bufs[b]
            off = pl.multiple_of((base + j) * K, K)
            pltpu.make_async_copy(col_hbm.at[pl.ds(off, K)], cv, sc).wait()
            pltpu.make_async_copy(row_hbm.at[pl.ds(off, K)], rv, sr).wait()

        def start_gather(b):
            cv, _, rw, _, _, sg = bufs[b]
            pltpu.async_copy(m_hbm.at[cv], rw, sg)

        def wait_gather(b):
            cv, _, rw, _, _, sg = bufs[b]
            pltpu.make_async_copy(m_hbm.at[cv], rw, sg).wait()

        def scatter(b):
            _, rv, rw, _, _, _ = bufs[b]
            pltpu.sync_copy(rw, acc.at[rv], add=True)

        def half(j, b, jpre):
            wait_gather(b)
            wait_idx(j + 1, 1 - b)
            start_gather(1 - b)
            scatter(b)
            start_idx(jpre, b)

        start_idx(0, 0)
        wait_idx(0, 0)
        start_idx(1, 1)
        start_gather(0)

        def pair(g, c):
            j = 2 * g
            half(j, 0, j + 2)
            half(j + 1, 1, jnp.minimum(j + 3, cpw - 1))
            return c
        lax.fori_loop(0, (cpw - 1) // 2, pair, 0)
        wait_gather(0)
        scatter(0)
        wait_idx(cpw - 1, 1)
        plsc.subcore_barrier()

        def wb(i, c):
            off = pl.multiple_of(sid * rps + i * K, K)
            pltpu.sync_copy(acc.at[pl.ds(off, K)], rows0)
            pltpu.sync_copy(rows0, out_hbm.at[cid, pl.ds(off, K)])
            return c
        lax.fori_loop(0, nb, wb, 0)

    return sc_fn


def _make_sc_deg(npad, cpw):
    rps = npad // NS
    nb = rps // K

    assert cpw % 2 == 1

    @functools.partial(
        pl.kernel, mesh=_sc_mesh(),
        out_type=[jax.ShapeDtypeStruct((NC, npad, 128), jnp.float32)],
        scratch_types=[
            pltpu.VMEM((K,), jnp.int32),
            pltpu.VMEM((K,), jnp.int32),
            pltpu.VMEM((K, 128), jnp.float32),
            pltpu.VMEM_SHARED((npad, 128), jnp.float32),
            pltpu.SemaphoreType.DMA,
            pltpu.SemaphoreType.DMA,
        ])
    def sc_fn(row_hbm, z_hbm, ones_hbm, out_hbm, rowv0, rowv1, rows, acc,
              sr0, sr1):
        cid = lax.axis_index("c")
        sid = lax.axis_index("s")
        wid = sid * NC + cid
        bufs = ((rowv0, sr0), (rowv1, sr1))

        pltpu.sync_copy(z_hbm, rows)

        def zb(i, c):
            off = pl.multiple_of(sid * rps + i * K, K)
            pltpu.sync_copy(rows, acc.at[pl.ds(off, K)])
            return c
        lax.fori_loop(0, nb, zb, 0)
        pltpu.sync_copy(ones_hbm, rows)
        plsc.subcore_barrier()

        base = wid * cpw

        def start_idx(j, b):
            rv, sr = bufs[b]
            off = pl.multiple_of((base + j) * K, K)
            pltpu.async_copy(row_hbm.at[pl.ds(off, K)], rv, sr)

        def wait_idx(j, b):
            rv, sr = bufs[b]
            off = pl.multiple_of((base + j) * K, K)
            pltpu.make_async_copy(row_hbm.at[pl.ds(off, K)], rv, sr).wait()

        def work(b):
            rv, _ = bufs[b]
            pltpu.sync_copy(rows, acc.at[rv], add=True)

        start_idx(0, 0)

        def pair(g, c):
            j = 2 * g
            wait_idx(j, 0)
            start_idx(j + 1, 1)
            work(0)
            wait_idx(j + 1, 1)
            start_idx(j + 2, 0)
            work(1)
            return c
        lax.fori_loop(0, (cpw - 1) // 2, pair, 0)
        wait_idx(cpw - 1, 0)
        work(0)
        plsc.subcore_barrier()

        def wb(i, c):
            off = pl.multiple_of(sid * rps + i * K, K)
            pltpu.sync_copy(acc.at[pl.ds(off, K)], rows)
            pltpu.sync_copy(rows, out_hbm.at[cid, pl.ds(off, K)])
            return c
        lax.fori_loop(0, nb, wb, 0)

    return sc_fn


def kernel(x, edge_index, Wn1, Wn2, Ws1, Ws2):
    n, d = x.shape
    e = edge_index.shape[1]
    nwork = NC * NS
    cpw = -(-e // (nwork * K))
    cpw += 1 - (cpw % 2)
    epad = nwork * cpw * K
    npad = -(-(n + 1) // (NS * K)) * NS * K

    row = edge_index[0]
    col = edge_index[1]
    pad = epad - e
    padrow = n + jnp.arange(pad, dtype=jnp.int32) % (npad - n)
    rowp = jnp.concatenate([row, padrow])
    colp = jnp.concatenate([col, jnp.zeros((pad,), jnp.int32)])
    z128 = jnp.zeros((K, 128), jnp.float32)
    o128 = jnp.ones((K, 128), jnp.float32)

    bm = _row_block(n)
    grid = (n // bm,)
    full_w = pl.BlockSpec((d, d), lambda i: (0, 0))
    rows128 = pl.BlockSpec((bm, 128), lambda i: (i, 0))

    (degp,) = _make_sc_deg(npad, cpw)(rowp, z128, o128)

    m1, s1 = pl.pallas_call(
        _tc1_body,
        grid=grid,
        in_specs=[rows128, full_w, full_w],
        out_specs=[rows128, rows128],
        out_shape=[jax.ShapeDtypeStruct((n, 128), jnp.float32)] * 2,
    )(x, Wn1, Ws1)

    sc_scatter = _make_sc_scatter(npad, cpw)
    (aggp,) = sc_scatter(m1, rowp, colp, z128)

    m2, s2 = pl.pallas_call(
        _tc2_body,
        grid=grid,
        in_specs=[rows128, rows128, rows128, rows128, rows128,
                  full_w, full_w],
        out_specs=[rows128, rows128],
        out_shape=[jax.ShapeDtypeStruct((n, 128), jnp.float32)] * 2,
    )(aggp[0, :n], aggp[1, :n], degp[0, :n], degp[1, :n], s1, Wn2, Ws2)

    (agg2p,) = sc_scatter(m2, rowp, colp, z128)

    out = pl.pallas_call(
        _tc3_body,
        grid=grid,
        in_specs=[rows128, rows128, rows128, rows128, rows128],
        out_specs=rows128,
        out_shape=jax.ShapeDtypeStruct((n, 128), jnp.float32),
    )(agg2p[0, :n], agg2p[1, :n], degp[0, :n], degp[1, :n], s2)

    return out

# --- scband reference (transcript-rebuilt; emitter-appended) ---
"""Pipeline reference for scband-bcos-graph-sage-28346784153652 (READ-ONLY COPY).

The authoritative reference and input builder live on the scoring server;
editing this copy changes nothing except your own understanding.
"""

import jax, jax.numpy as jnp
import numpy as np

N = 10000
E = 320000
D = 128
HID = 128
OUT = 128
B_EXP = 2.0
EPS = 1e-6


def _bcos_linear(x, W):
    lin = x @ W.T
    x_n = x / jnp.maximum(jnp.linalg.norm(x, axis=1, keepdims=True), 1e-12)
    w_n = W / jnp.maximum(jnp.linalg.norm(W, axis=1, keepdims=True), 1e-12)
    cos = jnp.maximum(x_n @ w_n.T, EPS)
    scale = jnp.abs(cos) ** (B_EXP - 1.0)
    return lin * scale


def setup_inputs(seed: int = 0) -> dict:
    key = jax.random.key(seed)
    ks = jax.random.split(key, 6)
    x = jax.random.normal(ks[0], (N, D), dtype=jnp.float32)
    edge_index = jax.random.randint(ks[1], (2, E), 0, N, dtype=jnp.int32)
    Wn1 = jax.random.normal(ks[2], (HID, D), dtype=jnp.float32) / np.sqrt(D)
    Wn2 = jax.random.normal(ks[3], (OUT, HID), dtype=jnp.float32) / np.sqrt(HID)
    Ws1 = jax.random.normal(ks[4], (HID, D), dtype=jnp.float32) / np.sqrt(D)
    Ws2 = jax.random.normal(ks[5], (OUT, HID), dtype=jnp.float32) / np.sqrt(HID)
    return {"x": x, "edge_index": edge_index, "Wn1": Wn1, "Wn2": Wn2, "Ws1": Ws1, "Ws2": Ws2}


def reference(x, edge_index, Wn1, Wn2, Ws1, Ws2):
    # eval mode: dropout is identity
    row = edge_index[0]
    col = edge_index[1]
    n = x.shape[0]
    neigh_msg = _bcos_linear(x[col], Wn1)
    agg = jax.ops.segment_sum(neigh_msg, row, num_segments=n)
    deg = jax.ops.segment_sum(jnp.ones((row.shape[0],), dtype=jnp.float32), row, num_segments=n)
    agg = agg / jnp.maximum(deg, 1.0)[:, None]
    h = jax.nn.relu(agg + x @ Ws1.T)
    neigh_msg2 = _bcos_linear(h[col], Wn2)
    agg2 = jax.ops.segment_sum(neigh_msg2, row, num_segments=n)
    deg2 = jax.ops.segment_sum(jnp.ones((row.shape[0],), dtype=jnp.float32), row, num_segments=n)
    agg2 = agg2 / jnp.maximum(deg2, 1.0)[:, None]
    out = agg2 + h @ Ws2.T
    return out

if __name__ == "__main__":
    import jax
    _d = setup_inputs()
    print(jax.jit(kernel)(*tuple(_d.values())))

</pallas_src>

<mosaic_0001>
#map = affine_map<(d0, d1) -> (0, 0)>
#map1 = affine_map<(d0, d1) -> (0)>
#map2 = affine_map<(d0, d1) -> (0, 0, 0)>
module attributes {stable_mosaic.version = 14 : i64} {
  func.func @sc_fn(%arg0: i32, %arg1: i32, %arg2: memref<10000x128xf32, #tpu.memory_space<hbm>>, %arg3: memref<323584xi32, #tpu.memory_space<hbm>>, %arg4: memref<323584xi32, #tpu.memory_space<hbm>>, %arg5: memref<128x128xf32, #tpu.memory_space<hbm>>, %arg6: memref<2x10240x128xf32, #tpu.memory_space<hbm>>, %arg7: memref<128xi32, #tpu.memory_space<vmem>>, %arg8: memref<128xi32, #tpu.memory_space<vmem>>, %arg9: memref<128xi32, #tpu.memory_space<vmem>>, %arg10: memref<128xi32, #tpu.memory_space<vmem>>, %arg11: memref<128x128xf32, #tpu.memory_space<vmem>>, %arg12: memref<128x128xf32, #tpu.memory_space<vmem>>, %arg13: memref<10240x128xf32, #tpu.memory_space<vmem_shared>>, %arg14: memref<!tpu.dma_semaphore, #tpu.memory_space<semaphore_mem>>, %arg15: memref<!tpu.dma_semaphore, #tpu.memory_space<semaphore_mem>>, %arg16: memref<!tpu.dma_semaphore, #tpu.memory_space<semaphore_mem>>, %arg17: memref<!tpu.dma_semaphore, #tpu.memory_space<semaphore_mem>>, %arg18: memref<!tpu.dma_semaphore, #tpu.memory_space<semaphore_mem>>, %arg19: memref<!tpu.dma_semaphore, #tpu.memory_space<semaphore_mem>>) attributes {dimension_semantics = [#tpu.dimension_semantics<core_parallel>, #tpu.dimension_semantics<subcore_parallel>], iteration_bounds = array<i64: 2, 16>, scalar_prefetch = 0 : i64, scratch_operands = 13 : i64, tpu.core_type = #tpu.core_type<sc_vector_subcore>, window_params = [{transform_indices = #map}, {transform_indices = #map1}, {transform_indices = #map1}, {transform_indices = #map}, {transform_indices = #map2}]} {
    %mul3A = arith.constant 2 : i32
    %mul3A_0 = arith.muli %arg1, %mul3A : i32
    %add3A = arith.addi %mul3A_0, %arg0 : i32
    "tpu.region"() ({
      %run_scoped3A = tpu.sem_alloc : memref<!tpu.dma_semaphore, #tpu.memory_space<semaphore_mem>>
      tpu.enqueue_dma source(%arg5 : memref<128x128xf32, #tpu.memory_space<hbm>>) target(%arg11 : memref<128x128xf32, #tpu.memory_space<vmem>>) target_semaphore(%run_scoped3A : memref<!tpu.dma_semaphore, #tpu.memory_space<semaphore_mem>>)
      tpu.wait_dma2 semaphore(%run_scoped3A : memref<!tpu.dma_semaphore, #tpu.memory_space<semaphore_mem>>) src(%arg5 : memref<128x128xf32, #tpu.memory_space<hbm>>) dst(%arg11 : memref<128x128xf32, #tpu.memory_space<vmem>>)
      tpu.yield
    }) : () -> ()
    %scan3A = arith.constant 0 : i32
    %scan3A_1 = arith.constant 0 : i32
    %scan3A_2 = arith.constant 5 : i32
    %scan3A_3 = arith.addi %scan3A_1, %scan3A_2 : i32
    %scan3A_4 = arith.constant 1 : i32
    scf.for %scan3A_60 = %scan3A_1 to %scan3A_3 step %scan3A_4  : i32 {
      %mul3A_61 = arith.constant 640 : i32
      %mul3A_62 = arith.muli %arg1, %mul3A_61 : i32
      %mul3A_63 = arith.constant 128 : i32
      %mul3A_64 = arith.muli %scan3A_60, %mul3A_63 : i32
      %add3A_65 = arith.addi %mul3A_62, %mul3A_64 : i32
      %multiple_of3A_66 = tpu.assume_multiple %add3A_65, 128 : i32
      "tpu.region"() ({
        %run_scoped3A = tpu.sem_alloc : memref<!tpu.dma_semaphore, #tpu.memory_space<semaphore_mem>>
        %dma_start3A_67 = arith.constant 0 : i32
        %dma_start3A_68 = tpu.memref_slice %arg13[%multiple_of3A_66, %dma_start3A_67] : memref<10240x128xf32, #tpu.memory_space<vmem_shared>> -> memref<128x128xf32, #tpu.memory_space<vmem_shared>>
        %dma_start3A_69 = arith.constant 0 : i32
        %dma_start3A_70 = tpu.memref_slice %arg13[%multiple_of3A_66, %dma_start3A_69] : memref<10240x128xf32, #tpu.memory_space<vmem_shared>> -> memref<128x128xf32, #tpu.memory_space<vmem_shared>>
        tpu.enqueue_dma source(%arg11 : memref<128x128xf32, #tpu.memory_space<vmem>>) target(%dma_start3A_70 : memref<128x128xf32, #tpu.memory_space<vmem_shared>>) target_semaphore(%run_scoped3A : memref<!tpu.dma_semaphore, #tpu.memory_space<semaphore_mem>>)
        %dma_wait3A_71 = arith.constant 0 : i32
        %dma_wait3A_72 = tpu.memref_slice %arg13[%multiple_of3A_66, %dma_wait3A_71] : memref<10240x128xf32, #tpu.memory_space<vmem_shared>> -> memref<128x128xf32, #tpu.memory_space<vmem_shared>>
        %dma_wait3A_73 = arith.constant 0 : i32
        %dma_wait3A_74 = tpu.memref_slice %arg13[%multiple_of3A_66, %dma_wait3A_73] : memref<10240x128xf32, #tpu.memory_space<vmem_shared>> -> memref<128x128xf32, #tpu.memory_space<vmem_shared>>
        tpu.wait_dma2 semaphore(%run_scoped3A : memref<!tpu.dma_semaphore, #tpu.memory_space<semaphore_mem>>) src(%arg11 : memref<128x128xf32, #tpu.memory_space<vmem>>) dst(%dma_wait3A_74 : memref<128x128xf32, #tpu.memory_space<vmem_shared>>)
        tpu.yield
      }) : () -> ()
    }
    %scan3A_5 = arith.constant 5 : i32
    %barrier3A = arith.constant 0 : index
    tpu.barrier barrier_id(%barrier3A)
    %mul3A_6 = arith.constant 79 : i32
    %mul3A_7 = arith.muli %add3A, %mul3A_6 : i32
    %add3A_8 = arith.constant 0 : i32
    %add3A_9 = arith.addi %mul3A_7, %add3A_8 : i32
    %mul3A_10 = arith.constant 128 : i32
    %mul3A_11 = arith.muli %add3A_9, %mul3A_10 : i32
    %multiple_of3A = tpu.assume_multiple %mul3A_11, 128 : i32
    %dma_start3A = tpu.memref_slice %arg4[%multiple_of3A] : memref<323584xi32, #tpu.memory_space<hbm>> -> memref<128xi32, #tpu.memory_space<hbm>>
    %dma_start3A_12 = tpu.memref_slice %arg4[%multiple_of3A] : memref<323584xi32, #tpu.memory_space<hbm>> -> memref<128xi32, #tpu.memory_space<hbm>>
    tpu.enqueue_dma source(%dma_start3A_12 : memref<128xi32, #tpu.memory_space<hbm>>) target(%arg7 : memref<128xi32, #tpu.memory_space<vmem>>) target_semaphore(%arg14 : memref<!tpu.dma_semaphore, #tpu.memory_space<semaphore_mem>>)
    %dma_start3A_13 = tpu.memref_slice %arg3[%multiple_of3A] : memref<323584xi32, #tpu.memory_space<hbm>> -> memref<128xi32, #tpu.memory_space<hbm>>
    %dma_start3A_14 = tpu.memref_slice %arg3[%multiple_of3A] : memref<323584xi32, #tpu.memory_space<hbm>> -> memref<128xi32, #tpu.memory_space<hbm>>
    tpu.enqueue_dma source(%dma_start3A_14 : memref<128xi32, #tpu.memory_space<hbm>>) target(%arg8 : memref<128xi32, #tpu.memory_space<vmem>>) target_semaphore(%arg15 : memref<!tpu.dma_semaphore, #tpu.memory_space<semaphore_mem>>)
    %add3A_15 = arith.constant 0 : i32
    %add3A_16 = arith.addi %mul3A_7, %add3A_15 : i32
    %mul3A_17 = arith.constant 128 : i32
    %mul3A_18 = arith.muli %add3A_16, %mul3A_17 : i32
    %multiple_of3A_19 = tpu.assume_multiple %mul3A_18, 128 : i32
    %dma_wait3A = tpu.memref_slice %arg4[%multiple_of3A_19] : memref<323584xi32, #tpu.memory_space<hbm>> -> memref<128xi32, #tpu.memory_space<hbm>>
    %dma_wait3A_20 = tpu.memref_slice %arg4[%multiple_of3A_19] : memref<323584xi32, #tpu.memory_space<hbm>> -> memref<128xi32, #tpu.memory_space<hbm>>
    tpu.wait_dma2 semaphore(%arg14 : memref<!tpu.dma_semaphore, #tpu.memory_space<semaphore_mem>>) src(%dma_wait3A_20 : memref<128xi32, #tpu.memory_space<hbm>>) dst(%arg7 : memref<128xi32, #tpu.memory_space<vmem>>)
    %dma_wait3A_21 = tpu.memref_slice %arg3[%multiple_of3A_19] : memref<323584xi32, #tpu.memory_space<hbm>> -> memref<128xi32, #tpu.memory_space<hbm>>
    %dma_wait3A_22 = tpu.memref_slice %arg3[%multiple_of3A_19] : memref<323584xi32, #tpu.memory_space<hbm>> -> memref<128xi32, #tpu.memory_space<hbm>>
    tpu.wait_dma2 semaphore(%arg15 : memref<!tpu.dma_semaphore, #tpu.memory_space<semaphore_mem>>) src(%dma_wait3A_22 : memref<128xi32, #tpu.memory_space<hbm>>) dst(%arg8 : memref<128xi32, #tpu.memory_space<vmem>>)
    %add3A_23 = arith.constant 1 : i32
    %add3A_24 = arith.addi %mul3A_7, %add3A_23 : i32
    %mul3A_25 = arith.constant 128 : i32
    %mul3A_26 = arith.muli %add3A_24, %mul3A_25 : i32
    %multiple_of3A_27 = tpu.assume_multiple %mul3A_26, 128 : i32
    %dma_start3A_28 = tpu.memref_slice %arg4[%multiple_of3A_27] : memref<323584xi32, #tpu.memory_space<hbm>> -> memref<128xi32, #tpu.memory_space<hbm>>
    %dma_start3A_29 = tpu.memref_slice %arg4[%multiple_of3A_27] : memref<323584xi32, #tpu.memory_space<hbm>> -> memref<128xi32, #tpu.memory_space<hbm>>
    tpu.enqueue_dma source(%dma_start3A_29 : memref<128xi32, #tpu.memory_space<hbm>>) target(%arg9 : memref<128xi32, #tpu.memory_space<vmem>>) target_semaphore(%arg17 : memref<!tpu.dma_semaphore, #tpu.memory_space<semaphore_mem>>)
    %dma_start3A_30 = tpu.memref_slice %arg3[%multiple_of3A_27] : memref<323584xi32, #tpu.memory_space<hbm>> -> memref<128xi32, #tpu.memory_space<hbm>>
    %dma_start3A_31 = tpu.memref_slice %arg3[%multiple_of3A_27] : memref<323584xi32, #tpu.memory_space<hbm>> -> memref<128xi32, #tpu.memory_space<hbm>>
    tpu.enqueue_dma source(%dma_start3A_31 : memref<128xi32, #tpu.memory_space<hbm>>) target(%arg10 : memref<128xi32, #tpu.memory_space<vmem>>) target_semaphore(%arg18 : memref<!tpu.dma_semaphore, #tpu.memory_space<semaphore_mem>>)
    %dma_start3A_32 = arith.constant 0 : i32
    %dma_start3A_33 = arith.constant 0 : i32
    %dma_start3A_34 = tpu.memref_slice %arg2[%dma_start3A_32, %dma_start3A_33] : memref<10000x128xf32, #tpu.memory_space<hbm>> -> memref<10000x128xf32, #tpu.memory_space<hbm>>
    tpu.enqueue_indirect_dma source(%dma_start3A_34 : memref<10000x128xf32, #tpu.memory_space<hbm>>) target(%arg11 : memref<128x128xf32, #tpu.memory_space<vmem>>) offsets(%arg7 : memref<128xi32, #tpu.memory_space<vmem>>) semaphore(%arg16 : memref<!tpu.dma_semaphore, #tpu.memory_space<semaphore_mem>>)
    %scan3A_35 = arith.constant 0 : i32
    %scan3A_36 = arith.constant 0 : i32
    %scan3A_37 = arith.constant 39 : i32
    %scan3A_38 = arith.addi %scan3A_36, %scan3A_37 : i32
    %scan3A_39 = arith.constant 1 : i32
    scf.for %scan3A_60 = %scan3A_36 to %scan3A_38 step %scan3A_39  : i32 {
      %mul3A_61 = arith.constant 2 : i32
      %mul3A_62 = arith.muli %mul3A_61, %scan3A_60 : i32
      %add3A_63 = arith.constant 2 : i32
      %add3A_64 = arith.addi %mul3A_62, %add3A_63 : i32
      %dma_wait3A_65 = arith.constant 0 : i32
      %dma_wait3A_66 = arith.constant 0 : i32
      %dma_wait3A_67 = tpu.memref_slice %arg2[%dma_wait3A_65, %dma_wait3A_66] : memref<10000x128xf32, #tpu.memory_space<hbm>> -> memref<10000x128xf32, #tpu.memory_space<hbm>>
      tpu.wait_indirect_dma semaphore(%arg16 : memref<!tpu.dma_semaphore, #tpu.memory_space<semaphore_mem>>) src(%dma_wait3A_67 : memref<10000x128xf32, #tpu.memory_space<hbm>>) dst(%arg11 : memref<128x128xf32, #tpu.memory_space<vmem>>)
      %add3A_68 = arith.constant 1 : i32
      %add3A_69 = arith.addi %mul3A_62, %add3A_68 : i32
      %add3A_70 = arith.addi %mul3A_7, %add3A_69 : i32
      %mul3A_71 = arith.constant 128 : i32
      %mul3A_72 = arith.muli %add3A_70, %mul3A_71 : i32
      %multiple_of3A_73 = tpu.assume_multiple %mul3A_72, 128 : i32
      %dma_wait3A_74 = tpu.memref_slice %arg4[%multiple_of3A_73] : memref<323584xi32, #tpu.memory_space<hbm>> -> memref<128xi32, #tpu.memory_space<hbm>>
      %dma_wait3A_75 = tpu.memref_slice %arg4[%multiple_of3A_73] : memref<323584xi32, #tpu.memory_space<hbm>> -> memref<128xi32, #tpu.memory_space<hbm>>
      tpu.wait_dma2 semaphore(%arg17 : memref<!tpu.dma_semaphore, #tpu.memory_space<semaphore_mem>>) src(%dma_wait3A_75 : memref<128xi32, #tpu.memory_space<hbm>>) dst(%arg9 : memref<128xi32, #tpu.memory_space<vmem>>)
      %dma_wait3A_76 = tpu.memref_slice %arg3[%multiple_of3A_73] : memref<323584xi32, #tpu.memory_space<hbm>> -> memref<128xi32, #tpu.memory_space<hbm>>
      %dma_wait3A_77 = tpu.memref_slice %arg3[%multiple_of3A_73] : memref<323584xi32, #tpu.memory_space<hbm>> -> memref<128xi32, #tpu.memory_space<hbm>>
      tpu.wait_dma2 semaphore(%arg18 : memref<!tpu.dma_semaphore, #tpu.memory_space<semaphore_mem>>) src(%dma_wait3A_77 : memref<128xi32, #tpu.memory_space<hbm>>) dst(%arg10 : memref<128xi32, #tpu.memory_space<vmem>>)
      %dma_start3A_78 = arith.constant 0 : i32
      %dma_start3A_79 = arith.constant 0 : i32
      %dma_start3A_80 = tpu.memref_slice %arg2[%dma_start3A_78, %dma_start3A_79] : memref<10000x128xf32, #tpu.memory_space<hbm>> -> memref<10000x128xf32, #tpu.memory_space<hbm>>
      tpu.enqueue_indirect_dma source(%dma_start3A_80 : memref<10000x128xf32, #tpu.memory_space<hbm>>) target(%arg12 : memref<128x128xf32, #tpu.memory_space<vmem>>) offsets(%arg9 : memref<128xi32, #tpu.memory_space<vmem>>) semaphore(%arg19 : memref<!tpu.dma_semaphore, #tpu.memory_space<semaphore_mem>>)
      "tpu.region"() ({
        %run_scoped3A = tpu.sem_alloc : memref<!tpu.dma_semaphore, #tpu.memory_space<semaphore_mem>>
        %dma_start3A_118 = arith.constant 0 : i32
        %dma_start3A_119 = arith.constant 0 : i32
        %dma_start3A_120 = tpu.memref_slice %arg13[%dma_start3A_118, %dma_start3A_119] : memref<10240x128xf32, #tpu.memory_space<vmem_shared>> -> memref<10240x128xf32, #tpu.memory_space<vmem_shared>>
        tpu.enqueue_indirect_dma source(%arg11 : memref<128x128xf32, #tpu.memory_space<vmem>>) target(%dma_start3A_120 : memref<10240x128xf32, #tpu.memory_space<vmem_shared>>) offsets(%arg8 : memref<128xi32, #tpu.memory_space<vmem>>) semaphore(%run_scoped3A : memref<!tpu.dma_semaphore, #tpu.memory_space<semaphore_mem>>) {add = true}
        %dma_wait3A_121 = arith.constant 0 : i32
        %dma_wait3A_122 = arith.constant 0 : i32
        %dma_wait3A_123 = tpu.memref_slice %arg13[%dma_wait3A_121, %dma_wait3A_122] : memref<10240x128xf32, #tpu.memory_space<vmem_shared>> -> memref<10240x128xf32, #tpu.memory_space<vmem_shared>>
        tpu.wait_indirect_dma semaphore(%run_scoped3A : memref<!tpu.dma_semaphore, #tpu.memory_space<semaphore_mem>>) src(%arg11 : memref<128x128xf32, #tpu.memory_space<vmem>>) dst(%dma_wait3A_123 : memref<10240x128xf32, #tpu.memory_space<vmem_shared>>)
        tpu.yield
      }) : () -> ()
      %add3A_81 = arith.addi %mul3A_7, %add3A_64 : i32
      %mul3A_82 = arith.constant 128 : i32
      %mul3A_83 = arith.muli %add3A_81, %mul3A_82 : i32
      %multiple_of3A_84 = tpu.assume_multiple %mul3A_83, 128 : i32
      %dma_start3A_85 = tpu.memref_slice %arg4[%multiple_of3A_84] : memref<323584xi32, #tpu.memory_space<hbm>> -> memref<128xi32, #tpu.memory_space<hbm>>
      %dma_start3A_86 = tpu.memref_slice %arg4[%multiple_of3A_84] : memref<323584xi32, #tpu.memory_space<hbm>> -> memref<128xi32, #tpu.memory_space<hbm>>
      tpu.enqueue_dma source(%dma_start3A_86 : memref<128xi32, #tpu.memory_space<hbm>>) target(%arg7 : memref<128xi32, #tpu.memory_space<vmem>>) target_semaphore(%arg14 : memref<!tpu.dma_semaphore, #tpu.memory_space<semaphore_mem>>)
      %dma_start3A_87 = tpu.memref_slice %arg3[%multiple_of3A_84] : memref<323584xi32, #tpu.memory_space<hbm>> -> memref<128xi32, #tpu.memory_space<hbm>>
      %dma_start3A_88 = tpu.memref_slice %arg3[%multiple_of3A_84] : memref<323584xi32, #tpu.memory_space<hbm>> -> memref<128xi32, #tpu.memory_space<hbm>>
      tpu.enqueue_dma source(%dma_start3A_88 : memref<128xi32, #tpu.memory_space<hbm>>) target(%arg8 : memref<128xi32, #tpu.memory_space<vmem>>) target_semaphore(%arg15 : memref<!tpu.dma_semaphore, #tpu.memory_space<semaphore_mem>>)
      %add3A_89 = arith.constant 1 : i32
      %add3A_90 = arith.addi %mul3A_62, %add3A_89 : i32
      %add3A_91 = arith.constant 3 : i32
      %add3A_92 = arith.addi %mul3A_62, %add3A_91 : i32
      %min3A = arith.constant 78 : i32
      %min3A_93 = arith.minsi %add3A_92, %min3A : i32
      %dma_wait3A_94 = arith.constant 0 : i32
      %dma_wait3A_95 = arith.constant 0 : i32
      %dma_wait3A_96 = tpu.memref_slice %arg2[%dma_wait3A_94, %dma_wait3A_95] : memref<10000x128xf32, #tpu.memory_space<hbm>> -> memref<10000x128xf32, #tpu.memory_space<hbm>>
      tpu.wait_indirect_dma semaphore(%arg19 : memref<!tpu.dma_semaphore, #tpu.memory_space<semaphore_mem>>) src(%dma_wait3A_96 : memref<10000x128xf32, #tpu.memory_space<hbm>>) dst(%arg12 : memref<128x128xf32, #tpu.memory_space<vmem>>)
      %add3A_97 = arith.constant 1 : i32
      %add3A_98 = arith.addi %add3A_90, %add3A_97 : i32
      %add3A_99 = arith.addi %mul3A_7, %add3A_98 : i32
      %mul3A_100 = arith.constant 128 : i32
      %mul3A_101 = arith.muli %add3A_99, %mul3A_100 : i32
      %multiple_of3A_102 = tpu.assume_multiple %mul3A_101, 128 : i32
      %dma_wait3A_103 = tpu.memref_slice %arg4[%multiple_of3A_102] : memref<323584xi32, #tpu.memory_space<hbm>> -> memref<128xi32, #tpu.memory_space<hbm>>
      %dma_wait3A_104 = tpu.memref_slice %arg4[%multiple_of3A_102] : memref<323584xi32, #tpu.memory_space<hbm>> -> memref<128xi32, #tpu.memory_space<hbm>>
      tpu.wait_dma2 semaphore(%arg14 : memref<!tpu.dma_semaphore, #tpu.memory_space<semaphore_mem>>) src(%dma_wait3A_104 : memref<128xi32, #tpu.memory_space<hbm>>) dst(%arg7 : memref<128xi32, #tpu.memory_space<vmem>>)
      %dma_wait3A_105 = tpu.memref_slice %arg3[%multiple_of3A_102] : memref<323584xi32, #tpu.memory_space<hbm>> -> memref<128xi32, #tpu.memory_space<hbm>>
      %dma_wait3A_106 = tpu.memref_slice %arg3[%multiple_of3A_102] : memref<323584xi32, #tpu.memory_space<hbm>> -> memref<128xi32, #tpu.memory_space<hbm>>
      tpu.wait_dma2 semaphore(%arg15 : memref<!tpu.dma_semaphore, #tpu.memory_space<semaphore_mem>>) src(%dma_wait3A_106 : memref<128xi32, #tpu.memory_space<hbm>>) dst(%arg8 : memref<128xi32, #tpu.memory_space<vmem>>)
      %dma_start3A_107 = arith.constant 0 : i32
      %dma_start3A_108 = arith.constant 0 : i32
      %dma_start3A_109 = tpu.memref_slice %arg2[%dma_start3A_107, %dma_start3A_108] : memref<10000x128xf32, #tpu.memory_space<hbm>> -> memref<10000x128xf32, #tpu.memory_space<hbm>>
      tpu.enqueue_indirect_dma source(%dma_start3A_109 : memref<10000x128xf32, #tpu.memory_space<hbm>>) target(%arg11 : memref<128x128xf32, #tpu.memory_space<vmem>>) offsets(%arg7 : memref<128xi32, #tpu.memory_space<vmem>>) semaphore(%arg16 : memref<!tpu.dma_semaphore, #tpu.memory_space<semaphore_mem>>)
      "tpu.region"() ({
        %run_scoped3A = tpu.sem_alloc : memref<!tpu.dma_semaphore, #tpu.memory_space<semaphore_mem>>
        %dma_start3A_118 = arith.constant 0 : i32
        %dma_start3A_119 = arith.constant 0 : i32
        %dma_start3A_120 = tpu.memref_slice %arg13[%dma_start3A_118, %dma_start3A_119] : memref<10240x128xf32, #tpu.memory_space<vmem_shared>> -> memref<10240x128xf32, #tpu.memory_space<vmem_shared>>
        tpu.enqueue_indirect_dma source(%arg12 : memref<128x128xf32, #tpu.memory_space<vmem>>) target(%dma_start3A_120 : memref<10240x128xf32, #tpu.memory_space<vmem_shared>>) offsets(%arg10 : memref<128xi32, #tpu.memory_space<vmem>>) semaphore(%run_scoped3A : memref<!tpu.dma_semaphore, #tpu.memory_space<semaphore_mem>>) {add = true}
        %dma_wait3A_121 = arith.constant 0 : i32
        %dma_wait3A_122 = arith.constant 0 : i32
        %dma_wait3A_123 = tpu.memref_slice %arg13[%dma_wait3A_121, %dma_wait3A_122] : memref<10240x128xf32, #tpu.memory_space<vmem_shared>> -> memref<10240x128xf32, #tpu.memory_space<vmem_shared>>
        tpu.wait_indirect_dma semaphore(%run_scoped3A : memref<!tpu.dma_semaphore, #tpu.memory_space<semaphore_mem>>) src(%arg12 : memref<128x128xf32, #tpu.memory_space<vmem>>) dst(%dma_wait3A_123 : memref<10240x128xf32, #tpu.memory_space<vmem_shared>>)
        tpu.yield
      }) : () -> ()
      %add3A_110 = arith.addi %mul3A_7, %min3A_93 : i32
      %mul3A_111 = arith.constant 128 : i32
      %mul3A_112 = arith.muli %add3A_110, %mul3A_111 : i32
      %multiple_of3A_113 = tpu.assume_multiple %mul3A_112, 128 : i32
      %dma_start3A_114 = tpu.memref_slice %arg4[%multiple_of3A_113] : memref<323584xi32, #tpu.memory_space<hbm>> -> memref<128xi32, #tpu.memory_space<hbm>>
      %dma_start3A_115 = tpu.memref_slice %arg4[%multiple_of3A_113] : memref<323584xi32, #tpu.memory_space<hbm>> -> memref<128xi32, #tpu.memory_space<hbm>>
      tpu.enqueue_dma source(%dma_start3A_115 : memref<128xi32, #tpu.memory_space<hbm>>) target(%arg9 : memref<128xi32, #tpu.memory_space<vmem>>) target_semaphore(%arg17 : memref<!tpu.dma_semaphore, #tpu.memory_space<semaphore_mem>>)
      %dma_start3A_116 = tpu.memref_slice %arg3[%multiple_of3A_113] : memref<323584xi32, #tpu.memory_space<hbm>> -> memref<128xi32, #tpu.memory_space<hbm>>
      %dma_start3A_117 = tpu.memref_slice %arg3[%multiple_of3A_113] : memref<323584xi32, #tpu.memory_space<hbm>> -> memref<128xi32, #tpu.memory_space<hbm>>
      tpu.enqueue_dma source(%dma_start3A_117 : memref<128xi32, #tpu.memory_space<hbm>>) target(%arg10 : memref<128xi32, #tpu.memory_space<vmem>>) target_semaphore(%arg18 : memref<!tpu.dma_semaphore, #tpu.memory_space<semaphore_mem>>)
    }
    %scan3A_40 = arith.constant 39 : i32
    %dma_wait3A_41 = arith.constant 0 : i32
    %dma_wait3A_42 = arith.constant 0 : i32
    %dma_wait3A_43 = tpu.memref_slice %arg2[%dma_wait3A_41, %dma_wait3A_42] : memref<10000x128xf32, #tpu.memory_space<hbm>> -> memref<10000x128xf32, #tpu.memory_space<hbm>>
    tpu.wait_indirect_dma semaphore(%arg16 : memref<!tpu.dma_semaphore, #tpu.memory_space<semaphore_mem>>) src(%dma_wait3A_43 : memref<10000x128xf32, #tpu.memory_space<hbm>>) dst(%arg11 : memref<128x128xf32, #tpu.memory_space<vmem>>)
    "tpu.region"() ({
      %run_scoped3A = tpu.sem_alloc : memref<!tpu.dma_semaphore, #tpu.memory_space<semaphore_mem>>
      %dma_start3A_60 = arith.constant 0 : i32
      %dma_start3A_61 = arith.constant 0 : i32
      %dma_start3A_62 = tpu.memref_slice %arg13[%dma_start3A_60, %dma_start3A_61] : memref<10240x128xf32, #tpu.memory_space<vmem_shared>> -> memref<10240x128xf32, #tpu.memory_space<vmem_shared>>
      tpu.enqueue_indirect_dma source(%arg11 : memref<128x128xf32, #tpu.memory_space<vmem>>) target(%dma_start3A_62 : memref<10240x128xf32, #tpu.memory_space<vmem_shared>>) offsets(%arg8 : memref<128xi32, #tpu.memory_space<vmem>>) semaphore(%run_scoped3A : memref<!tpu.dma_semaphore, #tpu.memory_space<semaphore_mem>>) {add = true}
      %dma_wait3A_63 = arith.constant 0 : i32
      %dma_wait3A_64 = arith.constant 0 : i32
      %dma_wait3A_65 = tpu.memref_slice %arg13[%dma_wait3A_63, %dma_wait3A_64] : memref<10240x128xf32, #tpu.memory_space<vmem_shared>> -> memref<10240x128xf32, #tpu.memory_space<vmem_shared>>
      tpu.wait_indirect_dma semaphore(%run_scoped3A : memref<!tpu.dma_semaphore, #tpu.memory_space<semaphore_mem>>) src(%arg11 : memref<128x128xf32, #tpu.memory_space<vmem>>) dst(%dma_wait3A_65 : memref<10240x128xf32, #tpu.memory_space<vmem_shared>>)
      tpu.yield
    }) : () -> ()
    %add3A_44 = arith.constant 78 : i32
    %add3A_45 = arith.addi %mul3A_7, %add3A_44 : i32
    %mul3A_46 = arith.constant 128 : i32
    %mul3A_47 = arith.muli %add3A_45, %mul3A_46 : i32
    %multiple_of3A_48 = tpu.assume_multiple %mul3A_47, 128 : i32
    %dma_wait3A_49 = tpu.memref_slice %arg4[%multiple_of3A_48] : memref<323584xi32, #tpu.memory_space<hbm>> -> memref<128xi32, #tpu.memory_space<hbm>>
    %dma_wait3A_50 = tpu.memref_slice %arg4[%multiple_of3A_48] : memref<323584xi32, #tpu.memory_space<hbm>> -> memref<128xi32, #tpu.memory_space<hbm>>
    tpu.wait_dma2 semaphore(%arg17 : memref<!tpu.dma_semaphore, #tpu.memory_space<semaphore_mem>>) src(%dma_wait3A_50 : memref<128xi32, #tpu.memory_space<hbm>>) dst(%arg9 : memref<128xi32, #tpu.memory_space<vmem>>)
    %dma_wait3A_51 = tpu.memref_slice %arg3[%multiple_of3A_48] : memref<323584xi32, #tpu.memory_space<hbm>> -> memref<128xi32, #tpu.memory_space<hbm>>
    %dma_wait3A_52 = tpu.memref_slice %arg3[%multiple_of3A_48] : memref<323584xi32, #tpu.memory_space<hbm>> -> memref<128xi32, #tpu.memory_space<hbm>>
    tpu.wait_dma2 semaphore(%arg18 : memref<!tpu.dma_semaphore, #tpu.memory_space<semaphore_mem>>) src(%dma_wait3A_52 : memref<128xi32, #tpu.memory_space<hbm>>) dst(%arg10 : memref<128xi32, #tpu.memory_space<vmem>>)
    %barrier3A_53 = arith.constant 0 : index
    tpu.barrier barrier_id(%barrier3A_53)
    %scan3A_54 = arith.constant 0 : i32
    %scan3A_55 = arith.constant 0 : i32
    %scan3A_56 = arith.constant 5 : i32
    %scan3A_57 = arith.addi %scan3A_55, %scan3A_56 : i32
    %scan3A_58 = arith.constant 1 : i32
    scf.for %scan3A_60 = %scan3A_55 to %scan3A_57 step %scan3A_58  : i32 {
      %mul3A_61 = arith.constant 640 : i32
      %mul3A_62 = arith.muli %arg1, %mul3A_61 : i32
      %mul3A_63 = arith.constant 128 : i32
      %mul3A_64 = arith.muli %scan3A_60, %mul3A_63 : i32
      %add3A_65 = arith.addi %mul3A_62, %mul3A_64 : i32
      %multiple_of3A_66 = tpu.assume_multiple %add3A_65, 128 : i32
      "tpu.region"() ({
        %run_scoped3A = tpu.sem_alloc : memref<!tpu.dma_semaphore, #tpu.memory_space<semaphore_mem>>
        %dma_start3A_67 = arith.constant 0 : i32
        %dma_start3A_68 = tpu.memref_slice %arg13[%multiple_of3A_66, %dma_start3A_67] : memref<10240x128xf32, #tpu.memory_space<vmem_shared>> -> memref<128x128xf32, #tpu.memory_space<vmem_shared>>
        %dma_start3A_69 = arith.constant 0 : i32
        %dma_start3A_70 = tpu.memref_slice %arg13[%multiple_of3A_66, %dma_start3A_69] : memref<10240x128xf32, #tpu.memory_space<vmem_shared>> -> memref<128x128xf32, #tpu.memory_space<vmem_shared>>
        tpu.enqueue_dma source(%dma_start3A_70 : memref<128x128xf32, #tpu.memory_space<vmem_shared>>) target(%arg11 : memref<128x128xf32, #tpu.memory_space<vmem>>) target_semaphore(%run_scoped3A : memref<!tpu.dma_semaphore, #tpu.memory_space<semaphore_mem>>)
        %dma_wait3A_71 = arith.constant 0 : i32
        %dma_wait3A_72 = tpu.memref_slice %arg13[%multiple_of3A_66, %dma_wait3A_71] : memref<10240x128xf32, #tpu.memory_space<vmem_shared>> -> memref<128x128xf32, #tpu.memory_space<vmem_shared>>
        %dma_wait3A_73 = arith.constant 0 : i32
        %dma_wait3A_74 = tpu.memref_slice %arg13[%multiple_of3A_66, %dma_wait3A_73] : memref<10240x128xf32, #tpu.memory_space<vmem_shared>> -> memref<128x128xf32, #tpu.memory_space<vmem_shared>>
        tpu.wait_dma2 semaphore(%run_scoped3A : memref<!tpu.dma_semaphore, #tpu.memory_space<semaphore_mem>>) src(%dma_wait3A_74 : memref<128x128xf32, #tpu.memory_space<vmem_shared>>) dst(%arg11 : memref<128x128xf32, #tpu.memory_space<vmem>>)
        tpu.yield
      }) : () -> ()
      "tpu.region"() ({
        %run_scoped3A = tpu.sem_alloc : memref<!tpu.dma_semaphore, #tpu.memory_space<semaphore_mem>>
        %dma_start3A_67 = arith.constant 0 : i32
        %dma_start3A_68 = tpu.memref_slice %arg6[%arg0, %multiple_of3A_66, %dma_start3A_67] : memref<2x10240x128xf32, #tpu.memory_space<hbm>> -> memref<1x128x128xf32, #tpu.memory_space<hbm>>
        %dma_start3A_69 = tpu.memref_squeeze %dma_start3A_68 : memref<1x128x128xf32, #tpu.memory_space<hbm>> -> memref<128x128xf32, #tpu.memory_space<hbm>>
        %dma_start3A_70 = arith.constant 0 : i32
        %dma_start3A_71 = tpu.memref_slice %arg6[%arg0, %multiple_of3A_66, %dma_start3A_70] : memref<2x10240x128xf32, #tpu.memory_space<hbm>> -> memref<1x128x128xf32, #tpu.memory_space<hbm>>
        %dma_start3A_72 = tpu.memref_squeeze %dma_start3A_71 : memref<1x128x128xf32, #tpu.memory_space<hbm>> -> memref<128x128xf32, #tpu.memory_space<hbm>>
        tpu.enqueue_dma source(%arg11 : memref<128x128xf32, #tpu.memory_space<vmem>>) target(%dma_start3A_72 : memref<128x128xf32, #tpu.memory_space<hbm>>) target_semaphore(%run_scoped3A : memref<!tpu.dma_semaphore, #tpu.memory_space<semaphore_mem>>)
        %dma_wait3A_73 = arith.constant 0 : i32
        %dma_wait3A_74 = tpu.memref_slice %arg6[%arg0, %multiple_of3A_66, %dma_wait3A_73] : memref<2x10240x128xf32, #tpu.memory_space<hbm>> -> memref<1x128x128xf32, #tpu.memory_space<hbm>>
        %dma_wait3A_75 = tpu.memref_squeeze %dma_wait3A_74 : memref<1x128x128xf32, #tpu.memory_space<hbm>> -> memref<128x128xf32, #tpu.memory_space<hbm>>
        %dma_wait3A_76 = arith.constant 0 : i32
        %dma_wait3A_77 = tpu.memref_slice %arg6[%arg0, %multiple_of3A_66, %dma_wait3A_76] : memref<2x10240x128xf32, #tpu.memory_space<hbm>> -> memref<1x128x128xf32, #tpu.memory_space<hbm>>
        %dma_wait3A_78 = tpu.memref_squeeze %dma_wait3A_77 : memref<1x128x128xf32, #tpu.memory_space<hbm>> -> memref<128x128xf32, #tpu.memory_space<hbm>>
        tpu.wait_dma2 semaphore(%run_scoped3A : memref<!tpu.dma_semaphore, #tpu.memory_space<semaphore_mem>>) src(%arg11 : memref<128x128xf32, #tpu.memory_space<vmem>>) dst(%dma_wait3A_78 : memref<128x128xf32, #tpu.memory_space<hbm>>)
        tpu.yield
      }) : () -> ()
    }
    %scan3A_59 = arith.constant 5 : i32
    return
  }
}

#map = affine_map<(d0, d1) -> (0, 0)>
#map1 = affine_map<(d0, d1) -> (0)>
#map2 = affine_map<(d0, d1) -> (0, 0, 0)>
module attributes {stable_mosaic.version = 14 : i64} {
  func.func @sc_fn(%arg0: i32, %arg1: i32, %arg2: memref<10000x128xf32, #tpu.memory_space<hbm>>, %arg3: memref<323584xi32, #tpu.memory_space<hbm>>, %arg4: memref<323584xi32, #tpu.memory_space<hbm>>, %arg5: memref<128x128xf32, #tpu.memory_space<hbm>>, %arg6: memref<2x10240x128xf32, #tpu.memory_space<hbm>>, %arg7: memref<128xi32, #tpu.memory_space<vmem>>, %arg8: memref<128xi32, #tpu.memory_space<vmem>>, %arg9: memref<128xi32, #tpu.memory_space<vmem>>, %arg10: memref<128xi32, #tpu.memory_space<vmem>>, %arg11: memref<128x128xf32, #tpu.memory_space<vmem>>, %arg12: memref<128x128xf32, #tpu.memory_space<vmem>>, %arg13: memref<10240x128xf32, #tpu.memory_space<vmem_shared>>, %arg14: memref<!tpu.dma_semaphore, #tpu.memory_space<semaphore_mem>>, %arg15: memref<!tpu.dma_semaphore, #tpu.memory_space<semaphore_mem>>, %arg16: memref<!tpu.dma_semaphore, #tpu.memory_space<semaphore_mem>>, %arg17: memref<!tpu.dma_semaphore, #tpu.memory_space<semaphore_mem>>, %arg18: memref<!tpu.dma_semaphore, #tpu.memory_space<semaphore_mem>>, %arg19: memref<!tpu.dma_semaphore, #tpu.memory_space<semaphore_mem>>) attributes {dimension_semantics = [#tpu.dimension_semantics<core_parallel>, #tpu.dimension_semantics<subcore_parallel>], iteration_bounds = array<i64: 2, 16>, scalar_prefetch = 0 : i64, scratch_operands = 13 : i64, tpu.core_type = #tpu.core_type<sc_vector_subcore>, window_params = [{transform_indices = #map}, {transform_indices = #map1}, {transform_indices = #map1}, {transform_indices = #map}, {transform_indices = #map2}]} {
    %mul3A = arith.constant 2 : i32
    %mul3A_0 = arith.muli %arg1, %mul3A : i32
    %add3A = arith.addi %mul3A_0, %arg0 : i32
    "tpu.region"() ({
      %run_scoped3A = tpu.sem_alloc : memref<!tpu.dma_semaphore, #tpu.memory_space<semaphore_mem>>
      tpu.enqueue_dma source(%arg5 : memref<128x128xf32, #tpu.memory_space<hbm>>) target(%arg11 : memref<128x128xf32, #tpu.memory_space<vmem>>) target_semaphore(%run_scoped3A : memref<!tpu.dma_semaphore, #tpu.memory_space<semaphore_mem>>)
      tpu.wait_dma2 semaphore(%run_scoped3A : memref<!tpu.dma_semaphore, #tpu.memory_space<semaphore_mem>>) src(%arg5 : memref<128x128xf32, #tpu.memory_space<hbm>>) dst(%arg11 : memref<128x128xf32, #tpu.memory_space<vmem>>)
      tpu.yield
    }) : () -> ()
    %scan3A = arith.constant 0 : i32
    %scan3A_1 = arith.constant 0 : i32
    %scan3A_2 = arith.constant 5 : i32
    %scan3A_3 = arith.addi %scan3A_1, %scan3A_2 : i32
    %scan3A_4 = arith.constant 1 : i32
    scf.for %scan3A_60 = %scan3A_1 to %scan3A_3 step %scan3A_4  : i32 {
      %mul3A_61 = arith.constant 640 : i32
      %mul3A_62 = arith.muli %arg1, %mul3A_61 : i32
      %mul3A_63 = arith.constant 128 : i32
      %mul3A_64 = arith.muli %scan3A_60, %mul3A_63 : i32
      %add3A_65 = arith.addi %mul3A_62, %mul3A_64 : i32
      %multiple_of3A_66 = tpu.assume_multiple %add3A_65, 128 : i32
      "tpu.region"() ({
        %run_scoped3A = tpu.sem_alloc : memref<!tpu.dma_semaphore, #tpu.memory_space<semaphore_mem>>
        %dma_start3A_67 = arith.constant 0 : i32
        %dma_start3A_68 = tpu.memref_slice %arg13[%multiple_of3A_66, %dma_start3A_67] : memref<10240x128xf32, #tpu.memory_space<vmem_shared>> -> memref<128x128xf32, #tpu.memory_space<vmem_shared>>
        %dma_start3A_69 = arith.constant 0 : i32
        %dma_start3A_70 = tpu.memref_slice %arg13[%multiple_of3A_66, %dma_start3A_69] : memref<10240x128xf32, #tpu.memory_space<vmem_shared>> -> memref<128x128xf32, #tpu.memory_space<vmem_shared>>
        tpu.enqueue_dma source(%arg11 : memref<128x128xf32, #tpu.memory_space<vmem>>) target(%dma_start3A_70 : memref<128x128xf32, #tpu.memory_space<vmem_shared>>) target_semaphore(%run_scoped3A : memref<!tpu.dma_semaphore, #tpu.memory_space<semaphore_mem>>)
        %dma_wait3A_71 = arith.constant 0 : i32
        %dma_wait3A_72 = tpu.memref_slice %arg13[%multiple_of3A_66, %dma_wait3A_71] : memref<10240x128xf32, #tpu.memory_space<vmem_shared>> -> memref<128x128xf32, #tpu.memory_space<vmem_shared>>
        %dma_wait3A_73 = arith.constant 0 : i32
        %dma_wait3A_74 = tpu.memref_slice %arg13[%multiple_of3A_66, %dma_wait3A_73] : memref<10240x128xf32, #tpu.memory_space<vmem_shared>> -> memref<128x128xf32, #tpu.memory_space<vmem_shared>>
        tpu.wait_dma2 semaphore(%run_scoped3A : memref<!tpu.dma_semaphore, #tpu.memory_space<semaphore_mem>>) src(%arg11 : memref<128x128xf32, #tpu.memory_space<vmem>>) dst(%dma_wait3A_74 : memref<128x128xf32, #tpu.memory_space<vmem_shared>>)
        tpu.yield
      }) : () -> ()
    }
    %scan3A_5 = arith.constant 5 : i32
    %barrier3A = arith.constant 0 : index
    tpu.barrier barrier_id(%barrier3A)
    %mul3A_6 = arith.constant 79 : i32
    %mul3A_7 = arith.muli %add3A, %mul3A_6 : i32
    %add3A_8 = arith.constant 0 : i32
    %add3A_9 = arith.addi %mul3A_7, %add3A_8 : i32
    %mul3A_10 = arith.constant 128 : i32
    %mul3A_11 = arith.muli %add3A_9, %mul3A_10 : i32
    %multiple_of3A = tpu.assume_multiple %mul3A_11, 128 : i32
    %dma_start3A = tpu.memref_slice %arg4[%multiple_of3A] : memref<323584xi32, #tpu.memory_space<hbm>> -> memref<128xi32, #tpu.memory_space<hbm>>
    %dma_start3A_12 = tpu.memref_slice %arg4[%multiple_of3A] : memref<323584xi32, #tpu.memory_space<hbm>> -> memref<128xi32, #tpu.memory_space<hbm>>
    tpu.enqueue_dma source(%dma_start3A_12 : memref<128xi32, #tpu.memory_space<hbm>>) target(%arg7 : memref<128xi32, #tpu.memory_space<vmem>>) target_semaphore(%arg14 : memref<!tpu.dma_semaphore, #tpu.memory_space<semaphore_mem>>)
    %dma_start3A_13 = tpu.memref_slice %arg3[%multiple_of3A] : memref<323584xi32, #tpu.memory_space<hbm>> -> memref<128xi32, #tpu.memory_space<hbm>>
    %dma_start3A_14 = tpu.memref_slice %arg3[%multiple_of3A] : memref<323584xi32, #tpu.memory_space<hbm>> -> memref<128xi32, #tpu.memory_space<hbm>>
    tpu.enqueue_dma source(%dma_start3A_14 : memref<128xi32, #tpu.memory_space<hbm>>) target(%arg8 : memref<128xi32, #tpu.memory_space<vmem>>) target_semaphore(%arg15 : memref<!tpu.dma_semaphore, #tpu.memory_space<semaphore_mem>>)
    %add3A_15 = arith.constant 0 : i32
    %add3A_16 = arith.addi %mul3A_7, %add3A_15 : i32
    %mul3A_17 = arith.constant 128 : i32
    %mul3A_18 = arith.muli %add3A_16, %mul3A_17 : i32
    %multiple_of3A_19 = tpu.assume_multiple %mul3A_18, 128 : i32
    %dma_wait3A = tpu.memref_slice %arg4[%multiple_of3A_19] : memref<323584xi32, #tpu.memory_space<hbm>> -> memref<128xi32, #tpu.memory_space<hbm>>
    %dma_wait3A_20 = tpu.memref_slice %arg4[%multiple_of3A_19] : memref<323584xi32, #tpu.memory_space<hbm>> -> memref<128xi32, #tpu.memory_space<hbm>>
    tpu.wait_dma2 semaphore(%arg14 : memref<!tpu.dma_semaphore, #tpu.memory_space<semaphore_mem>>) src(%dma_wait3A_20 : memref<128xi32, #tpu.memory_space<hbm>>) dst(%arg7 : memref<128xi32, #tpu.memory_space<vmem>>)
    %dma_wait3A_21 = tpu.memref_slice %arg3[%multiple_of3A_19] : memref<323584xi32, #tpu.memory_space<hbm>> -> memref<128xi32, #tpu.memory_space<hbm>>
    %dma_wait3A_22 = tpu.memref_slice %arg3[%multiple_of3A_19] : memref<323584xi32, #tpu.memory_space<hbm>> -> memref<128xi32, #tpu.memory_space<hbm>>
    tpu.wait_dma2 semaphore(%arg15 : memref<!tpu.dma_semaphore, #tpu.memory_space<semaphore_mem>>) src(%dma_wait3A_22 : memref<128xi32, #tpu.memory_space<hbm>>) dst(%arg8 : memref<128xi32, #tpu.memory_space<vmem>>)
    %add3A_23 = arith.constant 1 : i32
    %add3A_24 = arith.addi %mul3A_7, %add3A_23 : i32
    %mul3A_25 = arith.constant 128 : i32
    %mul3A_26 = arith.muli %add3A_24, %mul3A_25 : i32
    %multiple_of3A_27 = tpu.assume_multiple %mul3A_26, 128 : i32
    %dma_start3A_28 = tpu.memref_slice %arg4[%multiple_of3A_27] : memref<323584xi32, #tpu.memory_space<hbm>> -> memref<128xi32, #tpu.memory_space<hbm>>
    %dma_start3A_29 = tpu.memref_slice %arg4[%multiple_of3A_27] : memref<323584xi32, #tpu.memory_space<hbm>> -> memref<128xi32, #tpu.memory_space<hbm>>
    tpu.enqueue_dma source(%dma_start3A_29 : memref<128xi32, #tpu.memory_space<hbm>>) target(%arg9 : memref<128xi32, #tpu.memory_space<vmem>>) target_semaphore(%arg17 : memref<!tpu.dma_semaphore, #tpu.memory_space<semaphore_mem>>)
    %dma_start3A_30 = tpu.memref_slice %arg3[%multiple_of3A_27] : memref<323584xi32, #tpu.memory_space<hbm>> -> memref<128xi32, #tpu.memory_space<hbm>>
    %dma_start3A_31 = tpu.memref_slice %arg3[%multiple_of3A_27] : memref<323584xi32, #tpu.memory_space<hbm>> -> memref<128xi32, #tpu.memory_space<hbm>>
    tpu.enqueue_dma source(%dma_start3A_31 : memref<128xi32, #tpu.memory_space<hbm>>) target(%arg10 : memref<128xi32, #tpu.memory_space<vmem>>) target_semaphore(%arg18 : memref<!tpu.dma_semaphore, #tpu.memory_space<semaphore_mem>>)
    %dma_start3A_32 = arith.constant 0 : i32
    %dma_start3A_33 = arith.constant 0 : i32
    %dma_start3A_34 = tpu.memref_slice %arg2[%dma_start3A_32, %dma_start3A_33] : memref<10000x128xf32, #tpu.memory_space<hbm>> -> memref<10000x128xf32, #tpu.memory_space<hbm>>
    tpu.enqueue_indirect_dma source(%dma_start3A_34 : memref<10000x128xf32, #tpu.memory_space<hbm>>) target(%arg11 : memref<128x128xf32, #tpu.memory_space<vmem>>) offsets(%arg7 : memref<128xi32, #tpu.memory_space<vmem>>) semaphore(%arg16 : memref<!tpu.dma_semaphore, #tpu.memory_space<semaphore_mem>>)
    %scan3A_35 = arith.constant 0 : i32
    %scan3A_36 = arith.constant 0 : i32
    %scan3A_37 = arith.constant 39 : i32
    %scan3A_38 = arith.addi %scan3A_36, %scan3A_37 : i32
    %scan3A_39 = arith.constant 1 : i32
    scf.for %scan3A_60 = %scan3A_36 to %scan3A_38 step %scan3A_39  : i32 {
      %mul3A_61 = arith.constant 2 : i32
      %mul3A_62 = arith.muli %mul3A_61, %scan3A_60 : i32
      %add3A_63 = arith.constant 2 : i32
      %add3A_64 = arith.addi %mul3A_62, %add3A_63 : i32
      %dma_wait3A_65 = arith.constant 0 : i32
      %dma_wait3A_66 = arith.constant 0 : i32
      %dma_wait3A_67 = tpu.memref_slice %arg2[%dma_wait3A_65, %dma_wait3A_66] : memref<10000x128xf32, #tpu.memory_space<hbm>> -> memref<10000x128xf32, #tpu.memory_space<hbm>>
      tpu.wait_indirect_dma semaphore(%arg16 : memref<!tpu.dma_semaphore, #tpu.memory_space<semaphore_mem>>) src(%dma_wait3A_67 : memref<10000x128xf32, #tpu.memory_space<hbm>>) dst(%arg11 : memref<128x128xf32, #tpu.memory_space<vmem>>)
      %add3A_68 = arith.constant 1 : i32
      %add3A_69 = arith.addi %mul3A_62, %add3A_68 : i32
      %add3A_70 = arith.addi %mul3A_7, %add3A_69 : i32
      %mul3A_71 = arith.constant 128 : i32
      %mul3A_72 = arith.muli %add3A_70, %mul3A_71 : i32
      %multiple_of3A_73 = tpu.assume_multiple %mul3A_72, 128 : i32
      %dma_wait3A_74 = tpu.memref_slice %arg4[%multiple_of3A_73] : memref<323584xi32, #tpu.memory_space<hbm>> -> memref<128xi32, #tpu.memory_space<hbm>>
      %dma_wait3A_75 = tpu.memref_slice %arg4[%multiple_of3A_73] : memref<323584xi32, #tpu.memory_space<hbm>> -> memref<128xi32, #tpu.memory_space<hbm>>
      tpu.wait_dma2 semaphore(%arg17 : memref<!tpu.dma_semaphore, #tpu.memory_space<semaphore_mem>>) src(%dma_wait3A_75 : memref<128xi32, #tpu.memory_space<hbm>>) dst(%arg9 : memref<128xi32, #tpu.memory_space<vmem>>)
      %dma_wait3A_76 = tpu.memref_slice %arg3[%multiple_of3A_73] : memref<323584xi32, #tpu.memory_space<hbm>> -> memref<128xi32, #tpu.memory_space<hbm>>
      %dma_wait3A_77 = tpu.memref_slice %arg3[%multiple_of3A_73] : memref<323584xi32, #tpu.memory_space<hbm>> -> memref<128xi32, #tpu.memory_space<hbm>>
      tpu.wait_dma2 semaphore(%arg18 : memref<!tpu.dma_semaphore, #tpu.memory_space<semaphore_mem>>) src(%dma_wait3A_77 : memref<128xi32, #tpu.memory_space<hbm>>) dst(%arg10 : memref<128xi32, #tpu.memory_space<vmem>>)
      %dma_start3A_78 = arith.constant 0 : i32
      %dma_start3A_79 = arith.constant 0 : i32
      %dma_start3A_80 = tpu.memref_slice %arg2[%dma_start3A_78, %dma_start3A_79] : memref<10000x128xf32, #tpu.memory_space<hbm>> -> memref<10000x128xf32, #tpu.memory_space<hbm>>
      tpu.enqueue_indirect_dma source(%dma_start3A_80 : memref<10000x128xf32, #tpu.memory_space<hbm>>) target(%arg12 : memref<128x128xf32, #tpu.memory_space<vmem>>) offsets(%arg9 : memref<128xi32, #tpu.memory_space<vmem>>) semaphore(%arg19 : memref<!tpu.dma_semaphore, #tpu.memory_space<semaphore_mem>>)
      "tpu.region"() ({
        %run_scoped3A = tpu.sem_alloc : memref<!tpu.dma_semaphore, #tpu.memory_space<semaphore_mem>>
        %dma_start3A_118 = arith.constant 0 : i32
        %dma_start3A_119 = arith.constant 0 : i32
        %dma_start3A_120 = tpu.memref_slice %arg13[%dma_start3A_118, %dma_start3A_119] : memref<10240x128xf32, #tpu.memory_space<vmem_shared>> -> memref<10240x128xf32, #tpu.memory_space<vmem_shared>>
        tpu.enqueue_indirect_dma source(%arg11 : memref<128x128xf32, #tpu.memory_space<vmem>>) target(%dma_start3A_120 : memref<10240x128xf32, #tpu.memory_space<vmem_shared>>) offsets(%arg8 : memref<128xi32, #tpu.memory_space<vmem>>) semaphore(%run_scoped3A : memref<!tpu.dma_semaphore, #tpu.memory_space<semaphore_mem>>) {add = true}
        %dma_wait3A_121 = arith.constant 0 : i32
        %dma_wait3A_122 = arith.constant 0 : i32
        %dma_wait3A_123 = tpu.memref_slice %arg13[%dma_wait3A_121, %dma_wait3A_122] : memref<10240x128xf32, #tpu.memory_space<vmem_shared>> -> memref<10240x128xf32, #tpu.memory_space<vmem_shared>>
        tpu.wait_indirect_dma semaphore(%run_scoped3A : memref<!tpu.dma_semaphore, #tpu.memory_space<semaphore_mem>>) src(%arg11 : memref<128x128xf32, #tpu.memory_space<vmem>>) dst(%dma_wait3A_123 : memref<10240x128xf32, #tpu.memory_space<vmem_shared>>)
        tpu.yield
      }) : () -> ()
      %add3A_81 = arith.addi %mul3A_7, %add3A_64 : i32
      %mul3A_82 = arith.constant 128 : i32
      %mul3A_83 = arith.muli %add3A_81, %mul3A_82 : i32
      %multiple_of3A_84 = tpu.assume_multiple %mul3A_83, 128 : i32
      %dma_start3A_85 = tpu.memref_slice %arg4[%multiple_of3A_84] : memref<323584xi32, #tpu.memory_space<hbm>> -> memref<128xi32, #tpu.memory_space<hbm>>
      %dma_start3A_86 = tpu.memref_slice %arg4[%multiple_of3A_84] : memref<323584xi32, #tpu.memory_space<hbm>> -> memref<128xi32, #tpu.memory_space<hbm>>
      tpu.enqueue_dma source(%dma_start3A_86 : memref<128xi32, #tpu.memory_space<hbm>>) target(%arg7 : memref<128xi32, #tpu.memory_space<vmem>>) target_semaphore(%arg14 : memref<!tpu.dma_semaphore, #tpu.memory_space<semaphore_mem>>)
      %dma_start3A_87 = tpu.memref_slice %arg3[%multiple_of3A_84] : memref<323584xi32, #tpu.memory_space<hbm>> -> memref<128xi32, #tpu.memory_space<hbm>>
      %dma_start3A_88 = tpu.memref_slice %arg3[%multiple_of3A_84] : memref<323584xi32, #tpu.memory_space<hbm>> -> memref<128xi32, #tpu.memory_space<hbm>>
      tpu.enqueue_dma source(%dma_start3A_88 : memref<128xi32, #tpu.memory_space<hbm>>) target(%arg8 : memref<128xi32, #tpu.memory_space<vmem>>) target_semaphore(%arg15 : memref<!tpu.dma_semaphore, #tpu.memory_space<semaphore_mem>>)
      %add3A_89 = arith.constant 1 : i32
      %add3A_90 = arith.addi %mul3A_62, %add3A_89 : i32
      %add3A_91 = arith.constant 3 : i32
      %add3A_92 = arith.addi %mul3A_62, %add3A_91 : i32
      %min3A = arith.constant 78 : i32
      %min3A_93 = arith.minsi %add3A_92, %min3A : i32
      %dma_wait3A_94 = arith.constant 0 : i32
      %dma_wait3A_95 = arith.constant 0 : i32
      %dma_wait3A_96 = tpu.memref_slice %arg2[%dma_wait3A_94, %dma_wait3A_95] : memref<10000x128xf32, #tpu.memory_space<hbm>> -> memref<10000x128xf32, #tpu.memory_space<hbm>>
      tpu.wait_indirect_dma semaphore(%arg19 : memref<!tpu.dma_semaphore, #tpu.memory_space<semaphore_mem>>) src(%dma_wait3A_96 : memref<10000x128xf32, #tpu.memory_space<hbm>>) dst(%arg12 : memref<128x128xf32, #tpu.memory_space<vmem>>)
      %add3A_97 = arith.constant 1 : i32
      %add3A_98 = arith.addi %add3A_90, %add3A_97 : i32
      %add3A_99 = arith.addi %mul3A_7, %add3A_98 : i32
      %mul3A_100 = arith.constant 128 : i32
      %mul3A_101 = arith.muli %add3A_99, %mul3A_100 : i32
      %multiple_of3A_102 = tpu.assume_multiple %mul3A_101, 128 : i32
      %dma_wait3A_103 = tpu.memref_slice %arg4[%multiple_of3A_102] : memref<323584xi32, #tpu.memory_space<hbm>> -> memref<128xi32, #tpu.memory_space<hbm>>
      %dma_wait3A_104 = tpu.memref_slice %arg4[%multiple_of3A_102] : memref<323584xi32, #tpu.memory_space<hbm>> -> memref<128xi32, #tpu.memory_space<hbm>>
      tpu.wait_dma2 semaphore(%arg14 : memref<!tpu.dma_semaphore, #tpu.memory_space<semaphore_mem>>) src(%dma_wait3A_104 : memref<128xi32, #tpu.memory_space<hbm>>) dst(%arg7 : memref<128xi32, #tpu.memory_space<vmem>>)
      %dma_wait3A_105 = tpu.memref_slice %arg3[%multiple_of3A_102] : memref<323584xi32, #tpu.memory_space<hbm>> -> memref<128xi32, #tpu.memory_space<hbm>>
      %dma_wait3A_106 = tpu.memref_slice %arg3[%multiple_of3A_102] : memref<323584xi32, #tpu.memory_space<hbm>> -> memref<128xi32, #tpu.memory_space<hbm>>
      tpu.wait_dma2 semaphore(%arg15 : memref<!tpu.dma_semaphore, #tpu.memory_space<semaphore_mem>>) src(%dma_wait3A_106 : memref<128xi32, #tpu.memory_space<hbm>>) dst(%arg8 : memref<128xi32, #tpu.memory_space<vmem>>)
      %dma_start3A_107 = arith.constant 0 : i32
      %dma_start3A_108 = arith.constant 0 : i32
      %dma_start3A_109 = tpu.memref_slice %arg2[%dma_start3A_107, %dma_start3A_108] : memref<10000x128xf32, #tpu.memory_space<hbm>> -> memref<10000x128xf32, #tpu.memory_space<hbm>>
      tpu.enqueue_indirect_dma source(%dma_start3A_109 : memref<10000x128xf32, #tpu.memory_space<hbm>>) target(%arg11 : memref<128x128xf32, #tpu.memory_space<vmem>>) offsets(%arg7 : memref<128xi32, #tpu.memory_space<vmem>>) semaphore(%arg16 : memref<!tpu.dma_semaphore, #tpu.memory_space<semaphore_mem>>)
      "tpu.region"() ({
        %run_scoped3A = tpu.sem_alloc : memref<!tpu.dma_semaphore, #tpu.memory_space<semaphore_mem>>
        %dma_start3A_118 = arith.constant 0 : i32
        %dma_start3A_119 = arith.constant 0 : i32
        %dma_start3A_120 = tpu.memref_slice %arg13[%dma_start3A_118, %dma_start3A_119] : memref<10240x128xf32, #tpu.memory_space<vmem_shared>> -> memref<10240x128xf32, #tpu.memory_space<vmem_shared>>
        tpu.enqueue_indirect_dma source(%arg12 : memref<128x128xf32, #tpu.memory_space<vmem>>) target(%dma_start3A_120 : memref<10240x128xf32, #tpu.memory_space<vmem_shared>>) offsets(%arg10 : memref<128xi32, #tpu.memory_space<vmem>>) semaphore(%run_scoped3A : memref<!tpu.dma_semaphore, #tpu.memory_space<semaphore_mem>>) {add = true}
        %dma_wait3A_121 = arith.constant 0 : i32
        %dma_wait3A_122 = arith.constant 0 : i32
        %dma_wait3A_123 = tpu.memref_slice %arg13[%dma_wait3A_121, %dma_wait3A_122] : memref<10240x128xf32, #tpu.memory_space<vmem_shared>> -> memref<10240x128xf32, #tpu.memory_space<vmem_shared>>
        tpu.wait_indirect_dma semaphore(%run_scoped3A : memref<!tpu.dma_semaphore, #tpu.memory_space<semaphore_mem>>) src(%arg12 : memref<128x128xf32, #tpu.memory_space<vmem>>) dst(%dma_wait3A_123 : memref<10240x128xf32, #tpu.memory_space<vmem_shared>>)
        tpu.yield
      }) : () -> ()
      %add3A_110 = arith.addi %mul3A_7, %min3A_93 : i32
      %mul3A_111 = arith.constant 128 : i32
      %mul3A_112 = arith.muli %add3A_110, %mul3A_111 : i32
      %multiple_of3A_113 = tpu.assume_multiple %mul3A_112, 128 : i32
      %dma_start3A_114 = tpu.memref_slice %arg4[%multiple_of3A_113] : memref<323584xi32, #tpu.memory_space<hbm>> -> memref<128xi32, #tpu.memory_space<hbm>>
      %dma_start3A_115 = tpu.memref_slice %arg4[%multiple_of3A_113] : memref<323584xi32, #tpu.memory_space<hbm>> -> memref<128xi32, #tpu.memory_space<hbm>>
      tpu.enqueue_dma source(%dma_start3A_115 : memref<128xi32, #tpu.memory_space<hbm>>) target(%arg9 : memref<128xi32, #tpu.memory_space<vmem>>) target_semaphore(%arg17 : memref<!tpu.dma_semaphore, #tpu.memory_space<semaphore_mem>>)
      %dma_start3A_116 = tpu.memref_slice %arg3[%multiple_of3A_113] : memref<323584xi32, #tpu.memory_space<hbm>> -> memref<128xi32, #tpu.memory_space<hbm>>
      %dma_start3A_117 = tpu.memref_slice %arg3[%multiple_of3A_113] : memref<323584xi32, #tpu.memory_space<hbm>> -> memref<128xi32, #tpu.memory_space<hbm>>
      tpu.enqueue_dma source(%dma_start3A_117 : memref<128xi32, #tpu.memory_space<hbm>>) target(%arg10 : memref<128xi32, #tpu.memory_space<vmem>>) target_semaphore(%arg18 : memref<!tpu.dma_semaphore, #tpu.memory_space<semaphore_mem>>)
    }
    %scan3A_40 = arith.constant 39 : i32
    %dma_wait3A_41 = arith.constant 0 : i32
    %dma_wait3A_42 = arith.constant 0 : i32
    %dma_wait3A_43 = tpu.memref_slice %arg2[%dma_wait3A_41, %dma_wait3A_42] : memref<10000x128xf32, #tpu.memory_space<hbm>> -> memref<10000x128xf32, #tpu.memory_space<hbm>>
    tpu.wait_indirect_dma semaphore(%arg16 : memref<!tpu.dma_semaphore, #tpu.memory_space<semaphore_mem>>) src(%dma_wait3A_43 : memref<10000x128xf32, #tpu.memory_space<hbm>>) dst(%arg11 : memref<128x128xf32, #tpu.memory_space<vmem>>)
    "tpu.region"() ({
      %run_scoped3A = tpu.sem_alloc : memref<!tpu.dma_semaphore, #tpu.memory_space<semaphore_mem>>
      %dma_start3A_60 = arith.constant 0 : i32
      %dma_start3A_61 = arith.constant 0 : i32
      %dma_start3A_62 = tpu.memref_slice %arg13[%dma_start3A_60, %dma_start3A_61] : memref<10240x128xf32, #tpu.memory_space<vmem_shared>> -> memref<10240x128xf32, #tpu.memory_space<vmem_shared>>
      tpu.enqueue_indirect_dma source(%arg11 : memref<128x128xf32, #tpu.memory_space<vmem>>) target(%dma_start3A_62 : memref<10240x128xf32, #tpu.memory_space<vmem_shared>>) offsets(%arg8 : memref<128xi32, #tpu.memory_space<vmem>>) semaphore(%run_scoped3A : memref<!tpu.dma_semaphore, #tpu.memory_space<semaphore_mem>>) {add = true}
      %dma_wait3A_63 = arith.constant 0 : i32
      %dma_wait3A_64 = arith.constant 0 : i32
      %dma_wait3A_65 = tpu.memref_slice %arg13[%dma_wait3A_63, %dma_wait3A_64] : memref<10240x128xf32, #tpu.memory_space<vmem_shared>> -> memref<10240x128xf32, #tpu.memory_space<vmem_shared>>
      tpu.wait_indirect_dma semaphore(%run_scoped3A : memref<!tpu.dma_semaphore, #tpu.memory_space<semaphore_mem>>) src(%arg11 : memref<128x128xf32, #tpu.memory_space<vmem>>) dst(%dma_wait3A_65 : memref<10240x128xf32, #tpu.memory_space<vmem_shared>>)
      tpu.yield
    }) : () -> ()
    %add3A_44 = arith.constant 78 : i32
    %add3A_45 = arith.addi %mul3A_7, %add3A_44 : i32
    %mul3A_46 = arith.constant 128 : i32
    %mul3A_47 = arith.muli %add3A_45, %mul3A_46 : i32
    %multiple_of3A_48 = tpu.assume_multiple %mul3A_47, 128 : i32
    %dma_wait3A_49 = tpu.memref_slice %arg4[%multiple_of3A_48] : memref<323584xi32, #tpu.memory_space<hbm>> -> memref<128xi32, #tpu.memory_space<hbm>>
    %dma_wait3A_50 = tpu.memref_slice %arg4[%multiple_of3A_48] : memref<323584xi32, #tpu.memory_space<hbm>> -> memref<128xi32, #tpu.memory_space<hbm>>
    tpu.wait_dma2 semaphore(%arg17 : memref<!tpu.dma_semaphore, #tpu.memory_space<semaphore_mem>>) src(%dma_wait3A_50 : memref<128xi32, #tpu.memory_space<hbm>>) dst(%arg9 : memref<128xi32, #tpu.memory_space<vmem>>)
    %dma_wait3A_51 = tpu.memref_slice %arg3[%multiple_of3A_48] : memref<323584xi32, #tpu.memory_space<hbm>> -> memref<128xi32, #tpu.memory_space<hbm>>
    %dma_wait3A_52 = tpu.memref_slice %arg3[%multiple_of3A_48] : memref<323584xi32, #tpu.memory_space<hbm>> -> memref<128xi32, #tpu.memory_space<hbm>>
    tpu.wait_dma2 semaphore(%arg18 : memref<!tpu.dma_semaphore, #tpu.memory_space<semaphore_mem>>) src(%dma_wait3A_52 : memref<128xi32, #tpu.memory_space<hbm>>) dst(%arg10 : memref<128xi32, #tpu.memory_space<vmem>>)
    %barrier3A_53 = arith.constant 0 : index
    tpu.barrier barrier_id(%barrier3A_53)
    %scan3A_54 = arith.constant 0 : i32
    %scan3A_55 = arith.constant 0 : i32
    %scan3A_56 = arith.constant 5 : i32
    %scan3A_57 = arith.addi %scan3A_55, %scan3A_56 : i32
    %scan3A_58 = arith.constant 1 : i32
    scf.for %scan3A_60 = %scan3A_55 to %scan3A_57 step %scan3A_58  : i32 {
      %mul3A_61 = arith.constant 640 : i32
      %mul3A_62 = arith.muli %arg1, %mul3A_61 : i32
      %mul3A_63 = arith.constant 128 : i32
      %mul3A_64 = arith.muli %scan3A_60, %mul3A_63 : i32
      %add3A_65 = arith.addi %mul3A_62, %mul3A_64 : i32
      %multiple_of3A_66 = tpu.assume_multiple %add3A_65, 128 : i32
      "tpu.region"() ({
        %run_scoped3A = tpu.sem_alloc : memref<!tpu.dma_semaphore, #tpu.memory_space<semaphore_mem>>
        %dma_start3A_67 = arith.constant 0 : i32
        %dma_start3A_68 = tpu.memref_slice %arg13[%multiple_of3A_66, %dma_start3A_67] : memref<10240x128xf32, #tpu.memory_space<vmem_shared>> -> memref<128x128xf32, #tpu.memory_space<vmem_shared>>
        %dma_start3A_69 = arith.constant 0 : i32
        %dma_start3A_70 = tpu.memref_slice %arg13[%multiple_of3A_66, %dma_start3A_69] : memref<10240x128xf32, #tpu.memory_space<vmem_shared>> -> memref<128x128xf32, #tpu.memory_space<vmem_shared>>
        tpu.enqueue_dma source(%dma_start3A_70 : memref<128x128xf32, #tpu.memory_space<vmem_shared>>) target(%arg11 : memref<128x128xf32, #tpu.memory_space<vmem>>) target_semaphore(%run_scoped3A : memref<!tpu.dma_semaphore, #tpu.memory_space<semaphore_mem>>)
        %dma_wait3A_71 = arith.constant 0 : i32
        %dma_wait3A_72 = tpu.memref_slice %arg13[%multiple_of3A_66, %dma_wait3A_71] : memref<10240x128xf32, #tpu.memory_space<vmem_shared>> -> memref<128x128xf32, #tpu.memory_space<vmem_shared>>
        %dma_wait3A_73 = arith.constant 0 : i32
        %dma_wait3A_74 = tpu.memref_slice %arg13[%multiple_of3A_66, %dma_wait3A_73] : memref<10240x128xf32, #tpu.memory_space<vmem_shared>> -> memref<128x128xf32, #tpu.memory_space<vmem_shared>>
        tpu.wait_dma2 semaphore(%run_scoped3A : memref<!tpu.dma_semaphore, #tpu.memory_space<semaphore_mem>>) src(%dma_wait3A_74 : memref<128x128xf32, #tpu.memory_space<vmem_shared>>) dst(%arg11 : memref<128x128xf32, #tpu.memory_space<vmem>>)
        tpu.yield
      }) : () -> ()
      "tpu.region"() ({
        %run_scoped3A = tpu.sem_alloc : memref<!tpu.dma_semaphore, #tpu.memory_space<semaphore_mem>>
        %dma_start3A_67 = arith.constant 0 : i32
        %dma_start3A_68 = tpu.memref_slice %arg6[%arg0, %multiple_of3A_66, %dma_start3A_67] : memref<2x10240x128xf32, #tpu.memory_space<hbm>> -> memref<1x128x128xf32, #tpu.memory_space<hbm>>
        %dma_start3A_69 = tpu.memref_squeeze %dma_start3A_68 : memref<1x128x128xf32, #tpu.memory_space<hbm>> -> memref<128x128xf32, #tpu.memory_space<hbm>>
        %dma_start3A_70 = arith.constant 0 : i32
        %dma_start3A_71 = tpu.memref_slice %arg6[%arg0, %multiple_of3A_66, %dma_start3A_70] : memref<2x10240x128xf32, #tpu.memory_space<hbm>> -> memref<1x128x128xf32, #tpu.memory_space<hbm>>
        %dma_start3A_72 = tpu.memref_squeeze %dma_start3A_71 : memref<1x128x128xf32, #tpu.memory_space<hbm>> -> memref<128x128xf32, #tpu.memory_space<hbm>>
        tpu.enqueue_dma source(%arg11 : memref<128x128xf32, #tpu.memory_space<vmem>>) target(%dma_start3A_72 : memref<128x128xf32, #tpu.memory_space<hbm>>) target_semaphore(%run_scoped3A : memref<!tpu.dma_semaphore, #tpu.memory_space<semaphore_mem>>)
        %dma_wait3A_73 = arith.constant 0 : i32
        %dma_wait3A_74 = tpu.memref_slice %arg6[%arg0, %multiple_of3A_66, %dma_wait3A_73] : memref<2x10240x128xf32, #tpu.memory_space<hbm>> -> memref<1x128x128xf32, #tpu.memory_space<hbm>>
        %dma_wait3A_75 = tpu.memref_squeeze %dma_wait3A_74 : memref<1x128x128xf32, #tpu.memory_space<hbm>> -> memref<128x128xf32, #tpu.memory_space<hbm>>
        %dma_wait3A_76 = arith.constant 0 : i32
        %dma_wait3A_77 = tpu.memref_slice %arg6[%arg0, %multiple_of3A_66, %dma_wait3A_76] : memref<2x10240x128xf32, #tpu.memory_space<hbm>> -> memref<1x128x128xf32, #tpu.memory_space<hbm>>
        %dma_wait3A_78 = tpu.memref_squeeze %dma_wait3A_77 : memref<1x128x128xf32, #tpu.memory_space<hbm>> -> memref<128x128xf32, #tpu.memory_space<hbm>>
        tpu.wait_dma2 semaphore(%run_scoped3A : memref<!tpu.dma_semaphore, #tpu.memory_space<semaphore_mem>>) src(%arg11 : memref<128x128xf32, #tpu.memory_space<vmem>>) dst(%dma_wait3A_78 : memref<128x128xf32, #tpu.memory_space<hbm>>)
        tpu.yield
      }) : () -> ()
    }
    %scan3A_59 = arith.constant 5 : i32
    return
  }
}

#map = affine_map<(d0, d1) -> (0)>
#map1 = affine_map<(d0, d1) -> (0, 0)>
#map2 = affine_map<(d0, d1) -> (0, 0, 0)>
module attributes {stable_mosaic.version = 14 : i64} {
  func.func @sc_fn(%arg0: i32, %arg1: i32, %arg2: memref<323584xi32, #tpu.memory_space<hbm>>, %arg3: memref<128x128xf32, #tpu.memory_space<hbm>>, %arg4: memref<128x128xf32, #tpu.memory_space<hbm>>, %arg5: memref<2x10240x128xf32, #tpu.memory_space<hbm>>, %arg6: memref<128xi32, #tpu.memory_space<vmem>>, %arg7: memref<128xi32, #tpu.memory_space<vmem>>, %arg8: memref<128x128xf32, #tpu.memory_space<vmem>>, %arg9: memref<10240x128xf32, #tpu.memory_space<vmem_shared>>, %arg10: memref<!tpu.dma_semaphore, #tpu.memory_space<semaphore_mem>>, %arg11: memref<!tpu.dma_semaphore, #tpu.memory_space<semaphore_mem>>) attributes {dimension_semantics = [#tpu.dimension_semantics<core_parallel>, #tpu.dimension_semantics<subcore_parallel>], iteration_bounds = array<i64: 2, 16>, scalar_prefetch = 0 : i64, scratch_operands = 6 : i64, tpu.core_type = #tpu.core_type<sc_vector_subcore>, window_params = [{transform_indices = #map}, {transform_indices = #map1}, {transform_indices = #map1}, {transform_indices = #map2}]} {
    %mul3A = arith.constant 2 : i32
    %mul3A_0 = arith.muli %arg1, %mul3A : i32
    %add3A = arith.addi %mul3A_0, %arg0 : i32
    "tpu.region"() ({
      %run_scoped3A = tpu.sem_alloc : memref<!tpu.dma_semaphore, #tpu.memory_space<semaphore_mem>>
      tpu.enqueue_dma source(%arg3 : memref<128x128xf32, #tpu.memory_space<hbm>>) target(%arg8 : memref<128x128xf32, #tpu.memory_space<vmem>>) target_semaphore(%run_scoped3A : memref<!tpu.dma_semaphore, #tpu.memory_space<semaphore_mem>>)
      tpu.wait_dma2 semaphore(%run_scoped3A : memref<!tpu.dma_semaphore, #tpu.memory_space<semaphore_mem>>) src(%arg3 : memref<128x128xf32, #tpu.memory_space<hbm>>) dst(%arg8 : memref<128x128xf32, #tpu.memory_space<vmem>>)
      tpu.yield
    }) : () -> ()
    %scan3A = arith.constant 0 : i32
    %scan3A_1 = arith.constant 0 : i32
    %scan3A_2 = arith.constant 5 : i32
    %scan3A_3 = arith.addi %scan3A_1, %scan3A_2 : i32
    %scan3A_4 = arith.constant 1 : i32
    scf.for %scan3A_32 = %scan3A_1 to %scan3A_3 step %scan3A_4  : i32 {
      %mul3A_33 = arith.constant 640 : i32
      %mul3A_34 = arith.muli %arg1, %mul3A_33 : i32
      %mul3A_35 = arith.constant 128 : i32
      %mul3A_36 = arith.muli %scan3A_32, %mul3A_35 : i32
      %add3A_37 = arith.addi %mul3A_34, %mul3A_36 : i32
      %multiple_of3A_38 = tpu.assume_multiple %add3A_37, 128 : i32
      "tpu.region"() ({
        %run_scoped3A = tpu.sem_alloc : memref<!tpu.dma_semaphore, #tpu.memory_space<semaphore_mem>>
        %dma_start3A_39 = arith.constant 0 : i32
        %dma_start3A_40 = tpu.memref_slice %arg9[%multiple_of3A_38, %dma_start3A_39] : memref<10240x128xf32, #tpu.memory_space<vmem_shared>> -> memref<128x128xf32, #tpu.memory_space<vmem_shared>>
        %dma_start3A_41 = arith.constant 0 : i32
        %dma_start3A_42 = tpu.memref_slice %arg9[%multiple_of3A_38, %dma_start3A_41] : memref<10240x128xf32, #tpu.memory_space<vmem_shared>> -> memref<128x128xf32, #tpu.memory_space<vmem_shared>>
        tpu.enqueue_dma source(%arg8 : memref<128x128xf32, #tpu.memory_space<vmem>>) target(%dma_start3A_42 : memref<128x128xf32, #tpu.memory_space<vmem_shared>>) target_semaphore(%run_scoped3A : memref<!tpu.dma_semaphore, #tpu.memory_space<semaphore_mem>>)
        %dma_wait3A_43 = arith.constant 0 : i32
        %dma_wait3A_44 = tpu.memref_slice %arg9[%multiple_of3A_38, %dma_wait3A_43] : memref<10240x128xf32, #tpu.memory_space<vmem_shared>> -> memref<128x128xf32, #tpu.memory_space<vmem_shared>>
        %dma_wait3A_45 = arith.constant 0 : i32
        %dma_wait3A_46 = tpu.memref_slice %arg9[%multiple_of3A_38, %dma_wait3A_45] : memref<10240x128xf32, #tpu.memory_space<vmem_shared>> -> memref<128x128xf32, #tpu.memory_space<vmem_shared>>
        tpu.wait_dma2 semaphore(%run_scoped3A : memref<!tpu.dma_semaphore, #tpu.memory_space<semaphore_mem>>) src(%arg8 : memref<128x128xf32, #tpu.memory_space<vmem>>) dst(%dma_wait3A_46 : memref<128x128xf32, #tpu.memory_space<vmem_shared>>)
        tpu.yield
      }) : () -> ()
    }
    %scan3A_5 = arith.constant 5 : i32
    "tpu.region"() ({
      %run_scoped3A = tpu.sem_alloc : memref<!tpu.dma_semaphore, #tpu.memory_space<semaphore_mem>>
      tpu.enqueue_dma source(%arg4 : memref<128x128xf32, #tpu.memory_space<hbm>>) target(%arg8 : memref<128x128xf32, #tpu.memory_space<vmem>>) target_semaphore(%run_scoped3A : memref<!tpu.dma_semaphore, #tpu.memory_space<semaphore_mem>>)
      tpu.wait_dma2 semaphore(%run_scoped3A : memref<!tpu.dma_semaphore, #tpu.memory_space<semaphore_mem>>) src(%arg4 : memref<128x128xf32, #tpu.memory_space<hbm>>) dst(%arg8 : memref<128x128xf32, #tpu.memory_space<vmem>>)
      tpu.yield
    }) : () -> ()
    %barrier3A = arith.constant 0 : index
    tpu.barrier barrier_id(%barrier3A)
    %mul3A_6 = arith.constant 79 : i32
    %mul3A_7 = arith.muli %add3A, %mul3A_6 : i32
    %add3A_8 = arith.constant 0 : i32
    %add3A_9 = arith.addi %mul3A_7, %add3A_8 : i32
    %mul3A_10 = arith.constant 128 : i32
    %mul3A_11 = arith.muli %add3A_9, %mul3A_10 : i32
    %multiple_of3A = tpu.assume_multiple %mul3A_11, 128 : i32
    %dma_start3A = tpu.memref_slice %arg2[%multiple_of3A] : memref<323584xi32, #tpu.memory_space<hbm>> -> memref<128xi32, #tpu.memory_space<hbm>>
    %dma_start3A_12 = tpu.memref_slice %arg2[%multiple_of3A] : memref<323584xi32, #tpu.memory_space<hbm>> -> memref<128xi32, #tpu.memory_space<hbm>>
    tpu.enqueue_dma source(%dma_start3A_12 : memref<128xi32, #tpu.memory_space<hbm>>) target(%arg6 : memref<128xi32, #tpu.memory_space<vmem>>) target_semaphore(%arg10 : memref<!tpu.dma_semaphore, #tpu.memory_space<semaphore_mem>>)
    %scan3A_13 = arith.constant 0 : i32
    %scan3A_14 = arith.constant 0 : i32
    %scan3A_15 = arith.constant 39 : i32
    %scan3A_16 = arith.addi %scan3A_14, %scan3A_15 : i32
    %scan3A_17 = arith.constant 1 : i32
    scf.for %scan3A_32 = %scan3A_14 to %scan3A_16 step %scan3A_17  : i32 {
      %mul3A_33 = arith.constant 2 : i32
      %mul3A_34 = arith.muli %mul3A_33, %scan3A_32 : i32
      %add3A_35 = arith.addi %mul3A_7, %mul3A_34 : i32
      %mul3A_36 = arith.constant 128 : i32
      %mul3A_37 = arith.muli %add3A_35, %mul3A_36 : i32
      %multiple_of3A_38 = tpu.assume_multiple %mul3A_37, 128 : i32
      %dma_wait3A_39 = tpu.memref_slice %arg2[%multiple_of3A_38] : memref<323584xi32, #tpu.memory_space<hbm>> -> memref<128xi32, #tpu.memory_space<hbm>>
      %dma_wait3A_40 = tpu.memref_slice %arg2[%multiple_of3A_38] : memref<323584xi32, #tpu.memory_space<hbm>> -> memref<128xi32, #tpu.memory_space<hbm>>
      tpu.wait_dma2 semaphore(%arg10 : memref<!tpu.dma_semaphore, #tpu.memory_space<semaphore_mem>>) src(%dma_wait3A_40 : memref<128xi32, #tpu.memory_space<hbm>>) dst(%arg6 : memref<128xi32, #tpu.memory_space<vmem>>)
      %add3A_41 = arith.constant 1 : i32
      %add3A_42 = arith.addi %mul3A_34, %add3A_41 : i32
      %add3A_43 = arith.addi %mul3A_7, %add3A_42 : i32
      %mul3A_44 = arith.constant 128 : i32
      %mul3A_45 = arith.muli %add3A_43, %mul3A_44 : i32
      %multiple_of3A_46 = tpu.assume_multiple %mul3A_45, 128 : i32
      %dma_start3A_47 = tpu.memref_slice %arg2[%multiple_of3A_46] : memref<323584xi32, #tpu.memory_space<hbm>> -> memref<128xi32, #tpu.memory_space<hbm>>
      %dma_start3A_48 = tpu.memref_slice %arg2[%multiple_of3A_46] : memref<323584xi32, #tpu.memory_space<hbm>> -> memref<128xi32, #tpu.memory_space<hbm>>
      tpu.enqueue_dma source(%dma_start3A_48 : memref<128xi32, #tpu.memory_space<hbm>>) target(%arg7 : memref<128xi32, #tpu.memory_space<vmem>>) target_semaphore(%arg11 : memref<!tpu.dma_semaphore, #tpu.memory_space<semaphore_mem>>)
      "tpu.region"() ({
        %run_scoped3A = tpu.sem_alloc : memref<!tpu.dma_semaphore, #tpu.memory_space<semaphore_mem>>
        %dma_start3A_65 = arith.constant 0 : i32
        %dma_start3A_66 = arith.constant 0 : i32
        %dma_start3A_67 = tpu.memref_slice %arg9[%dma_start3A_65, %dma_start3A_66] : memref<10240x128xf32, #tpu.memory_space<vmem_shared>> -> memref<10240x128xf32, #tpu.memory_space<vmem_shared>>
        tpu.enqueue_indirect_dma source(%arg8 : memref<128x128xf32, #tpu.memory_space<vmem>>) target(%dma_start3A_67 : memref<10240x128xf32, #tpu.memory_space<vmem_shared>>) offsets(%arg6 : memref<128xi32, #tpu.memory_space<vmem>>) semaphore(%run_scoped3A : memref<!tpu.dma_semaphore, #tpu.memory_space<semaphore_mem>>) {add = true}
        %dma_wait3A_68 = arith.constant 0 : i32
        %dma_wait3A_69 = arith.constant 0 : i32
        %dma_wait3A_70 = tpu.memref_slice %arg9[%dma_wait3A_68, %dma_wait3A_69] : memref<10240x128xf32, #tpu.memory_space<vmem_shared>> -> memref<10240x128xf32, #tpu.memory_space<vmem_shared>>
        tpu.wait_indirect_dma semaphore(%run_scoped3A : memref<!tpu.dma_semaphore, #tpu.memory_space<semaphore_mem>>) src(%arg8 : memref<128x128xf32, #tpu.memory_space<vmem>>) dst(%dma_wait3A_70 : memref<10240x128xf32, #tpu.memory_space<vmem_shared>>)
        tpu.yield
      }) : () -> ()
      %add3A_49 = arith.constant 1 : i32
      %add3A_50 = arith.addi %mul3A_34, %add3A_49 : i32
      %add3A_51 = arith.addi %mul3A_7, %add3A_50 : i32
      %mul3A_52 = arith.constant 128 : i32
      %mul3A_53 = arith.muli %add3A_51, %mul3A_52 : i32
      %multiple_of3A_54 = tpu.assume_multiple %mul3A_53, 128 : i32
      %dma_wait3A_55 = tpu.memref_slice %arg2[%multiple_of3A_54] : memref<323584xi32, #tpu.memory_space<hbm>> -> memref<128xi32, #tpu.memory_space<hbm>>
      %dma_wait3A_56 = tpu.memref_slice %arg2[%multiple_of3A_54] : memref<323584xi32, #tpu.memory_space<hbm>> -> memref<128xi32, #tpu.memory_space<hbm>>
      tpu.wait_dma2 semaphore(%arg11 : memref<!tpu.dma_semaphore, #tpu.memory_space<semaphore_mem>>) src(%dma_wait3A_56 : memref<128xi32, #tpu.memory_space<hbm>>) dst(%arg7 : memref<128xi32, #tpu.memory_space<vmem>>)
      %add3A_57 = arith.constant 2 : i32
      %add3A_58 = arith.addi %mul3A_34, %add3A_57 : i32
      %add3A_59 = arith.addi %mul3A_7, %add3A_58 : i32
      %mul3A_60 = arith.constant 128 : i32
      %mul3A_61 = arith.muli %add3A_59, %mul3A_60 : i32
      %multiple_of3A_62 = tpu.assume_multiple %mul3A_61, 128 : i32
      %dma_start3A_63 = tpu.memref_slice %arg2[%multiple_of3A_62] : memref<323584xi32, #tpu.memory_space<hbm>> -> memref<128xi32, #tpu.memory_space<hbm>>
      %dma_start3A_64 = tpu.memref_slice %arg2[%multiple_of3A_62] : memref<323584xi32, #tpu.memory_space<hbm>> -> memref<128xi32, #tpu.memory_space<hbm>>
      tpu.enqueue_dma source(%dma_start3A_64 : memref<128xi32, #tpu.memory_space<hbm>>) target(%arg6 : memref<128xi32, #tpu.memory_space<vmem>>) target_semaphore(%arg10 : memref<!tpu.dma_semaphore, #tpu.memory_space<semaphore_mem>>)
      "tpu.region"() ({
        %run_scoped3A = tpu.sem_alloc : memref<!tpu.dma_semaphore, #tpu.memory_space<semaphore_mem>>
        %dma_start3A_65 = arith.constant 0 : i32
        %dma_start3A_66 = arith.constant 0 : i32
        %dma_start3A_67 = tpu.memref_slice %arg9[%dma_start3A_65, %dma_start3A_66] : memref<10240x128xf32, #tpu.memory_space<vmem_shared>> -> memref<10240x128xf32, #tpu.memory_space<vmem_shared>>
        tpu.enqueue_indirect_dma source(%arg8 : memref<128x128xf32, #tpu.memory_space<vmem>>) target(%dma_start3A_67 : memref<10240x128xf32, #tpu.memory_space<vmem_shared>>) offsets(%arg7 : memref<128xi32, #tpu.memory_space<vmem>>) semaphore(%run_scoped3A : memref<!tpu.dma_semaphore, #tpu.memory_space<semaphore_mem>>) {add = true}
        %dma_wait3A_68 = arith.constant 0 : i32
        %dma_wait3A_69 = arith.constant 0 : i32
        %dma_wait3A_70 = tpu.memref_slice %arg9[%dma_wait3A_68, %dma_wait3A_69] : memref<10240x128xf32, #tpu.memory_space<vmem_shared>> -> memref<10240x128xf32, #tpu.memory_space<vmem_shared>>
        tpu.wait_indirect_dma semaphore(%run_scoped3A : memref<!tpu.dma_semaphore, #tpu.memory_space<semaphore_mem>>) src(%arg8 : memref<128x128xf32, #tpu.memory_space<vmem>>) dst(%dma_wait3A_70 : memref<10240x128xf32, #tpu.memory_space<vmem_shared>>)
        tpu.yield
      }) : () -> ()
    }
    %scan3A_18 = arith.constant 39 : i32
    %add3A_19 = arith.constant 78 : i32
    %add3A_20 = arith.addi %mul3A_7, %add3A_19 : i32
    %mul3A_21 = arith.constant 128 : i32
    %mul3A_22 = arith.muli %add3A_20, %mul3A_21 : i32
    %multiple_of3A_23 = tpu.assume_multiple %mul3A_22, 128 : i32
    %dma_wait3A = tpu.memref_slice %arg2[%multiple_of3A_23] : memref<323584xi32, #tpu.memory_space<hbm>> -> memref<128xi32, #tpu.memory_space<hbm>>
    %dma_wait3A_24 = tpu.memref_slice %arg2[%multiple_of3A_23] : memref<323584xi32, #tpu.memory_space<hbm>> -> memref<128xi32, #tpu.memory_space<hbm>>
    tpu.wait_dma2 semaphore(%arg10 : memref<!tpu.dma_semaphore, #tpu.memory_space<semaphore_mem>>) src(%dma_wait3A_24 : memref<128xi32, #tpu.memory_space<hbm>>) dst(%arg6 : memref<128xi32, #tpu.memory_space<vmem>>)
    "tpu.region"() ({
      %run_scoped3A = tpu.sem_alloc : memref<!tpu.dma_semaphore, #tpu.memory_space<semaphore_mem>>
      %dma_start3A_32 = arith.constant 0 : i32
      %dma_start3A_33 = arith.constant 0 : i32
      %dma_start3A_34 = tpu.memref_slice %arg9[%dma_start3A_32, %dma_start3A_33] : memref<10240x128xf32, #tpu.memory_space<vmem_shared>> -> memref<10240x128xf32, #tpu.memory_space<vmem_shared>>
      tpu.enqueue_indirect_dma source(%arg8 : memref<128x128xf32, #tpu.memory_space<vmem>>) target(%dma_start3A_34 : memref<10240x128xf32, #tpu.memory_space<vmem_shared>>) offsets(%arg6 : memref<128xi32, #tpu.memory_space<vmem>>) semaphore(%run_scoped3A : memref<!tpu.dma_semaphore, #tpu.memory_space<semaphore_mem>>) {add = true}
      %dma_wait3A_35 = arith.constant 0 : i32
      %dma_wait3A_36 = arith.constant 0 : i32
      %dma_wait3A_37 = tpu.memref_slice %arg9[%dma_wait3A_35, %dma_wait3A_36] : memref<10240x128xf32, #tpu.memory_space<vmem_shared>> -> memref<10240x128xf32, #tpu.memory_space<vmem_shared>>
      tpu.wait_indirect_dma semaphore(%run_scoped3A : memref<!tpu.dma_semaphore, #tpu.memory_space<semaphore_mem>>) src(%arg8 : memref<128x128xf32, #tpu.memory_space<vmem>>) dst(%dma_wait3A_37 : memref<10240x128xf32, #tpu.memory_space<vmem_shared>>)
      tpu.yield
    }) : () -> ()
    %barrier3A_25 = arith.constant 0 : index
    tpu.barrier barrier_id(%barrier3A_25)
    %scan3A_26 = arith.constant 0 : i32
    %scan3A_27 = arith.constant 0 : i32
    %scan3A_28 = arith.constant 5 : i32
    %scan3A_29 = arith.addi %scan3A_27, %scan3A_28 : i32
    %scan3A_30 = arith.constant 1 : i32
    scf.for %scan3A_32 = %scan3A_27 to %scan3A_29 step %scan3A_30  : i32 {
      %mul3A_33 = arith.constant 640 : i32
      %mul3A_34 = arith.muli %arg1, %mul3A_33 : i32
      %mul3A_35 = arith.constant 128 : i32
      %mul3A_36 = arith.muli %scan3A_32, %mul3A_35 : i32
      %add3A_37 = arith.addi %mul3A_34, %mul3A_36 : i32
      %multiple_of3A_38 = tpu.assume_multiple %add3A_37, 128 : i32
      "tpu.region"() ({
        %run_scoped3A = tpu.sem_alloc : memref<!tpu.dma_semaphore, #tpu.memory_space<semaphore_mem>>
        %dma_start3A_39 = arith.constant 0 : i32
        %dma_start3A_40 = tpu.memref_slice %arg9[%multiple_of3A_38, %dma_start3A_39] : memref<10240x128xf32, #tpu.memory_space<vmem_shared>> -> memref<128x128xf32, #tpu.memory_space<vmem_shared>>
        %dma_start3A_41 = arith.constant 0 : i32
        %dma_start3A_42 = tpu.memref_slice %arg9[%multiple_of3A_38, %dma_start3A_41] : memref<10240x128xf32, #tpu.memory_space<vmem_shared>> -> memref<128x128xf32, #tpu.memory_space<vmem_shared>>
        tpu.enqueue_dma source(%dma_start3A_42 : memref<128x128xf32, #tpu.memory_space<vmem_shared>>) target(%arg8 : memref<128x128xf32, #tpu.memory_space<vmem>>) target_semaphore(%run_scoped3A : memref<!tpu.dma_semaphore, #tpu.memory_space<semaphore_mem>>)
        %dma_wait3A_43 = arith.constant 0 : i32
        %dma_wait3A_44 = tpu.memref_slice %arg9[%multiple_of3A_38, %dma_wait3A_43] : memref<10240x128xf32, #tpu.memory_space<vmem_shared>> -> memref<128x128xf32, #tpu.memory_space<vmem_shared>>
        %dma_wait3A_45 = arith.constant 0 : i32
        %dma_wait3A_46 = tpu.memref_slice %arg9[%multiple_of3A_38, %dma_wait3A_45] : memref<10240x128xf32, #tpu.memory_space<vmem_shared>> -> memref<128x128xf32, #tpu.memory_space<vmem_shared>>
        tpu.wait_dma2 semaphore(%run_scoped3A : memref<!tpu.dma_semaphore, #tpu.memory_space<semaphore_mem>>) src(%dma_wait3A_46 : memref<128x128xf32, #tpu.memory_space<vmem_shared>>) dst(%arg8 : memref<128x128xf32, #tpu.memory_space<vmem>>)
        tpu.yield
      }) : () -> ()
      "tpu.region"() ({
        %run_scoped3A = tpu.sem_alloc : memref<!tpu.dma_semaphore, #tpu.memory_space<semaphore_mem>>
        %dma_start3A_39 = arith.constant 0 : i32
        %dma_start3A_40 = tpu.memref_slice %arg5[%arg0, %multiple_of3A_38, %dma_start3A_39] : memref<2x10240x128xf32, #tpu.memory_space<hbm>> -> memref<1x128x128xf32, #tpu.memory_space<hbm>>
        %dma_start3A_41 = tpu.memref_squeeze %dma_start3A_40 : memref<1x128x128xf32, #tpu.memory_space<hbm>> -> memref<128x128xf32, #tpu.memory_space<hbm>>
        %dma_start3A_42 = arith.constant 0 : i32
        %dma_start3A_43 = tpu.memref_slice %arg5[%arg0, %multiple_of3A_38, %dma_start3A_42] : memref<2x10240x128xf32, #tpu.memory_space<hbm>> -> memref<1x128x128xf32, #tpu.memory_space<hbm>>
        %dma_start3A_44 = tpu.memref_squeeze %dma_start3A_43 : memref<1x128x128xf32, #tpu.memory_space<hbm>> -> memref<128x128xf32, #tpu.memory_space<hbm>>
        tpu.enqueue_dma source(%arg8 : memref<128x128xf32, #tpu.memory_space<vmem>>) target(%dma_start3A_44 : memref<128x128xf32, #tpu.memory_space<hbm>>) target_semaphore(%run_scoped3A : memref<!tpu.dma_semaphore, #tpu.memory_space<semaphore_mem>>)
        %dma_wait3A_45 = arith.constant 0 : i32
        %dma_wait3A_46 = tpu.memref_slice %arg5[%arg0, %multiple_of3A_38, %dma_wait3A_45] : memref<2x10240x128xf32, #tpu.memory_space<hbm>> -> memref<1x128x128xf32, #tpu.memory_space<hbm>>
        %dma_wait3A_47 = tpu.memref_squeeze %dma_wait3A_46 : memref<1x128x128xf32, #tpu.memory_space<hbm>> -> memref<128x128xf32, #tpu.memory_space<hbm>>
        %dma_wait3A_48 = arith.constant 0 : i32
        %dma_wait3A_49 = tpu.memref_slice %arg5[%arg0, %multiple_of3A_38, %dma_wait3A_48] : memref<2x10240x128xf32, #tpu.memory_space<hbm>> -> memref<1x128x128xf32, #tpu.memory_space<hbm>>
        %dma_wait3A_50 = tpu.memref_squeeze %dma_wait3A_49 : memref<1x128x128xf32, #tpu.memory_space<hbm>> -> memref<128x128xf32, #tpu.memory_space<hbm>>
        tpu.wait_dma2 semaphore(%run_scoped3A : memref<!tpu.dma_semaphore, #tpu.memory_space<semaphore_mem>>) src(%arg8 : memref<128x128xf32, #tpu.memory_space<vmem>>) dst(%dma_wait3A_50 : memref<128x128xf32, #tpu.memory_space<hbm>>)
        tpu.yield
      }) : () -> ()
    }
    %scan3A_31 = arith.constant 5 : i32
    return
  }
}

module attributes {stable_mosaic.version = 14 : i64} {
  func.func @_tc1_body(%arg0: i32, %arg1: memref<2000x128xf32, #tpu.memory_space<vmem>>, %arg2: memref<128x128xf32, #tpu.memory_space<vmem>>, %arg3: memref<128x128xf32, #tpu.memory_space<vmem>>, %arg4: memref<2000x128xf32, #tpu.memory_space<vmem>>, %arg5: memref<2000x128xf32, #tpu.memory_space<vmem>>) attributes {dimension_semantics = [#tpu.dimension_semantics<arbitrary>], iteration_bounds = array<i64: 5>, scalar_prefetch = 0 : i64, scratch_operands = 0 : i64, tpu.core_type = #tpu.core_type<tc>, window_params = [{transform_indices = @transform_0, window_bounds = array<i64: 2000, 128>}, {pipeline_mode = #tpu.pipeline_mode<synchronous>, transform_indices = @transform_1, window_bounds = array<i64: 128, 128>}, {pipeline_mode = #tpu.pipeline_mode<synchronous>, transform_indices = @transform_2, window_bounds = array<i64: 128, 128>}, {transform_indices = @transform_3, window_bounds = array<i64: 2000, 128>}, {transform_indices = @transform_4, window_bounds = array<i64: 2000, 128>}]} {
    %get3A = arith.constant 0 : index
    %get3A_0 = arith.constant 0 : index
    %get3A_1 = vector.load %arg1[%get3A, %get3A_0] : memref<2000x128xf32, #tpu.memory_space<vmem>>, vector<2000x128xf32>
    %get3A_2 = arith.constant 0 : index
    %get3A_3 = arith.constant 0 : index
    %get3A_4 = vector.load %arg2[%get3A_2, %get3A_3] : memref<128x128xf32, #tpu.memory_space<vmem>>, vector<128x128xf32>
    %dot_general3A = arith.constant dense<0.000000e+00> : vector<2000x128xf32>
    %dot_general3A_5 = tpu.matmul %get3A_1, %get3A_4, %dot_general3A {dimension_numbers = #tpu.dot_dimension_numbers<[1], [1], [0], [0], [0, 0, 1, 0], [], []>, transpose_lhs_hint = false} : vector<2000x128xf32>, vector<128x128xf32>, vector<2000x128xf32> -> vector<2000x128xf32>
    %mul3A = arith.mulf %get3A_1, %get3A_1 : vector<2000x128xf32>
    %reduce_sum3A = arith.constant dense<0.000000e+00> : vector<2000xf32>
    %reduce_sum3A_6 = vector.multi_reduction <add>, %mul3A, %reduce_sum3A [1] : vector<2000x128xf32> to vector<2000xf32>
    %broadcast_in_dim3A = vector.shape_cast %reduce_sum3A_6 : vector<2000xf32> to vector<2000x1xf32>
    %sqrt3A = math.sqrt %broadcast_in_dim3A : vector<2000x1xf32>
    %max3A = arith.constant 9.99999996E-13 : f32
    %max3A_7 = vector.broadcast %max3A : f32 to vector<2000x1xf32>
    %max3A_8 = arith.maximumf %sqrt3A, %max3A_7 : vector<2000x1xf32>
    %square3A = arith.mulf %max3A_8, %max3A_8 : vector<2000x1xf32>
    %mul3A_9 = arith.mulf %get3A_4, %get3A_4 : vector<128x128xf32>
    %reduce_sum3A_10 = arith.constant dense<0.000000e+00> : vector<128xf32>
    %reduce_sum3A_11 = vector.multi_reduction <add>, %mul3A_9, %reduce_sum3A_10 [1] : vector<128x128xf32> to vector<128xf32>
    %broadcast_in_dim3A_12 = vector.shape_cast %reduce_sum3A_11 : vector<128xf32> to vector<128x1xf32>
    %sqrt3A_13 = math.sqrt %broadcast_in_dim3A_12 : vector<128x1xf32>
    %max3A_14 = arith.constant 9.99999996E-13 : f32
    %max3A_15 = vector.broadcast %max3A_14 : f32 to vector<128x1xf32>
    %max3A_16 = arith.maximumf %sqrt3A_13, %max3A_15 : vector<128x1xf32>
    %square3A_17 = arith.mulf %max3A_16, %max3A_16 : vector<128x1xf32>
    %dot_general3A_18 = arith.constant dense<0.000000e+00> : vector<2000x128xf32>
    %dot_general3A_19 = tpu.matmul %square3A, %square3A_17, %dot_general3A_18 {dimension_numbers = #tpu.dot_dimension_numbers<[1], [1], [0], [0], [0, 0, 1, 0], [], []>, transpose_lhs_hint = false} : vector<2000x1xf32>, vector<128x1xf32>, vector<2000x128xf32> -> vector<2000x128xf32>
    %sqrt3A_20 = math.sqrt %dot_general3A_19 : vector<2000x128xf32>
    %div3A = arith.divf %dot_general3A_5, %sqrt3A_20 : vector<2000x128xf32>
    %max3A_21 = arith.constant 9.99999997E-7 : f32
    %max3A_22 = vector.broadcast %max3A_21 : f32 to vector<2000x128xf32>
    %max3A_23 = arith.maximumf %div3A, %max3A_22 : vector<2000x128xf32>
    %mul3A_24 = arith.mulf %dot_general3A_5, %max3A_23 : vector<2000x128xf32>
    %swap3A = arith.constant 0 : index
    %swap3A_25 = arith.constant 0 : index
    %swap3A_26 = vector.load %arg4[%swap3A, %swap3A_25] : memref<2000x128xf32, #tpu.memory_space<vmem>>, vector<2000x128xf32>
    tpu.vector_store %arg4[%swap3A, %swap3A_25], %mul3A_24 {strides = array<i32>} : memref<2000x128xf32, #tpu.memory_space<vmem>>, vector<2000x128xf32>,
    %get3A_27 = arith.constant 0 : index
    %get3A_28 = arith.constant 0 : index
    %get3A_29 = vector.load %arg3[%get3A_27, %get3A_28] : memref<128x128xf32, #tpu.memory_space<vmem>>, vector<128x128xf32>
    %dot_general3A_30 = arith.constant dense<0.000000e+00> : vector<2000x128xf32>
    %dot_general3A_31 = tpu.matmul %get3A_1, %get3A_29, %dot_general3A_30 {dimension_numbers = #tpu.dot_dimension_numbers<[1], [1], [0], [0], [0, 0, 1, 0], [], []>, transpose_lhs_hint = false} : vector<2000x128xf32>, vector<128x128xf32>, vector<2000x128xf32> -> vector<2000x128xf32>
    %swap3A_32 = arith.constant 0 : index
    %swap3A_33 = arith.constant 0 : index
    %swap3A_34 = vector.load %arg5[%swap3A_32, %swap3A_33] : memref<2000x128xf32, #tpu.memory_space<vmem>>, vector<2000x128xf32>
    tpu.vector_store %arg5[%swap3A_32, %swap3A_33], %dot_general3A_31 {strides = array<i32>} : memref<2000x128xf32, #tpu.memory_space<vmem>>, vector<2000x128xf32>,
    return
  }
  func.func @transform_0(%arg0: i32) -> (i32, i32) {
    %c0_i32 = arith.constant 0 : i32
    %c0_i32_0 = arith.constant 0 : i32
    return %arg0, %c0_i32 : i32, i32
  }
  func.func @transform_1(%arg0: i32) -> (i32, i32) {
    %c0_i32 = arith.constant 0 : i32
    %c0_i32_0 = arith.constant 0 : i32
    %c0_i32_1 = arith.constant 0 : i32
    return %c0_i32, %c0_i32_0 : i32, i32
  }
  func.func @transform_2(%arg0: i32) -> (i32, i32) {
    %c0_i32 = arith.constant 0 : i32
    %c0_i32_0 = arith.constant 0 : i32
    %c0_i32_1 = arith.constant 0 : i32
    return %c0_i32, %c0_i32_0 : i32, i32
  }
  func.func @transform_3(%arg0: i32) -> (i32, i32) {
    %c0_i32 = arith.constant 0 : i32
    %c0_i32_0 = arith.constant 0 : i32
    return %arg0, %c0_i32 : i32, i32
  }
  func.func @transform_4(%arg0: i32) -> (i32, i32) {
    %c0_i32 = arith.constant 0 : i32
    %c0_i32_0 = arith.constant 0 : i32
    return %arg0, %c0_i32 : i32, i32
  }
}

module attributes {stable_mosaic.version = 14 : i64} {
  func.func @_tc2_body(%arg0: i32, %arg1: memref<2000x128xf32, #tpu.memory_space<vmem>>, %arg2: memref<2000x128xf32, #tpu.memory_space<vmem>>, %arg3: memref<2000x128xf32, #tpu.memory_space<vmem>>, %arg4: memref<2000x128xf32, #tpu.memory_space<vmem>>, %arg5: memref<2000x128xf32, #tpu.memory_space<vmem>>, %arg6: memref<128x128xf32, #tpu.memory_space<vmem>>, %arg7: memref<128x128xf32, #tpu.memory_space<vmem>>, %arg8: memref<2000x128xf32, #tpu.memory_space<vmem>>, %arg9: memref<2000x128xf32, #tpu.memory_space<vmem>>) attributes {dimension_semantics = [#tpu.dimension_semantics<arbitrary>], iteration_bounds = array<i64: 5>, scalar_prefetch = 0 : i64, scratch_operands = 0 : i64, tpu.core_type = #tpu.core_type<tc>, window_params = [{transform_indices = @transform_0, window_bounds = array<i64: 2000, 128>}, {transform_indices = @transform_1, window_bounds = array<i64: 2000, 128>}, {transform_indices = @transform_2, window_bounds = array<i64: 2000, 128>}, {transform_indices = @transform_3, window_bounds = array<i64: 2000, 128>}, {transform_indices = @transform_4, window_bounds = array<i64: 2000, 128>}, {pipeline_mode = #tpu.pipeline_mode<synchronous>, transform_indices = @transform_5, window_bounds = array<i64: 128, 128>}, {pipeline_mode = #tpu.pipeline_mode<synchronous>, transform_indices = @transform_6, window_bounds = array<i64: 128, 128>}, {transform_indices = @transform_7, window_bounds = array<i64: 2000, 128>}, {transform_indices = @transform_8, window_bounds = array<i64: 2000, 128>}]} {
    %get3A = arith.constant 0 : index
    %get3A_0 = arith.constant 0 : index
    %get3A_1 = vector.load %arg3[%get3A, %get3A_0] : memref<2000x128xf32, #tpu.memory_space<vmem>>, vector<2000x1xf32>
    %get3A_2 = arith.constant 0 : index
    %get3A_3 = arith.constant 0 : index
    %get3A_4 = vector.load %arg4[%get3A_2, %get3A_3] : memref<2000x128xf32, #tpu.memory_space<vmem>>, vector<2000x1xf32>
    %add3A = arith.addf %get3A_1, %get3A_4 : vector<2000x1xf32>
    %max3A = arith.constant 1.000000e+00 : f32
    %max3A_5 = vector.broadcast %max3A : f32 to vector<2000x1xf32>
    %max3A_6 = arith.maximumf %add3A, %max3A_5 : vector<2000x1xf32>
    %get3A_7 = arith.constant 0 : index
    %get3A_8 = arith.constant 0 : index
    %get3A_9 = vector.load %arg1[%get3A_7, %get3A_8] : memref<2000x128xf32, #tpu.memory_space<vmem>>, vector<2000x128xf32>
    %get3A_10 = arith.constant 0 : index
    %get3A_11 = arith.constant 0 : index
    %get3A_12 = vector.load %arg2[%get3A_10, %get3A_11] : memref<2000x128xf32, #tpu.memory_space<vmem>>, vector<2000x128xf32>
    %add3A_13 = arith.addf %get3A_9, %get3A_12 : vector<2000x128xf32>
    %div3A = vector.broadcast %max3A_6 : vector<2000x1xf32> to vector<2000x128xf32>
    %div3A_14 = arith.divf %add3A_13, %div3A : vector<2000x128xf32>
    %get3A_15 = arith.constant 0 : index
    %get3A_16 = arith.constant 0 : index
    %get3A_17 = vector.load %arg5[%get3A_15, %get3A_16] : memref<2000x128xf32, #tpu.memory_space<vmem>>, vector<2000x128xf32>
    %add3A_18 = arith.addf %div3A_14, %get3A_17 : vector<2000x128xf32>
    %max3A_19 = arith.constant 0.000000e+00 : f32
    %max3A_20 = vector.broadcast %max3A_19 : f32 to vector<2000x128xf32>
    %max3A_21 = arith.maximumf %add3A_18, %max3A_20 : vector<2000x128xf32>
    %get3A_22 = arith.constant 0 : index
    %get3A_23 = arith.constant 0 : index
    %get3A_24 = vector.load %arg6[%get3A_22, %get3A_23] : memref<128x128xf32, #tpu.memory_space<vmem>>, vector<128x128xf32>
    %dot_general3A = arith.constant dense<0.000000e+00> : vector<2000x128xf32>
    %dot_general3A_25 = tpu.matmul %max3A_21, %get3A_24, %dot_general3A {dimension_numbers = #tpu.dot_dimension_numbers<[1], [1], [0], [0], [0, 0, 1, 0], [], []>, transpose_lhs_hint = false} : vector<2000x128xf32>, vector<128x128xf32>, vector<2000x128xf32> -> vector<2000x128xf32>
    %mul3A = arith.mulf %max3A_21, %max3A_21 : vector<2000x128xf32>
    %reduce_sum3A = arith.constant dense<0.000000e+00> : vector<2000xf32>
    %reduce_sum3A_26 = vector.multi_reduction <add>, %mul3A, %reduce_sum3A [1] : vector<2000x128xf32> to vector<2000xf32>
    %broadcast_in_dim3A = vector.shape_cast %reduce_sum3A_26 : vector<2000xf32> to vector<2000x1xf32>
    %sqrt3A = math.sqrt %broadcast_in_dim3A : vector<2000x1xf32>
    %max3A_27 = arith.constant 9.99999996E-13 : f32
    %max3A_28 = vector.broadcast %max3A_27 : f32 to vector<2000x1xf32>
    %max3A_29 = arith.maximumf %sqrt3A, %max3A_28 : vector<2000x1xf32>
    %square3A = arith.mulf %max3A_29, %max3A_29 : vector<2000x1xf32>
    %mul3A_30 = arith.mulf %get3A_24, %get3A_24 : vector<128x128xf32>
    %reduce_sum3A_31 = arith.constant dense<0.000000e+00> : vector<128xf32>
    %reduce_sum3A_32 = vector.multi_reduction <add>, %mul3A_30, %reduce_sum3A_31 [1] : vector<128x128xf32> to vector<128xf32>
    %broadcast_in_dim3A_33 = vector.shape_cast %reduce_sum3A_32 : vector<128xf32> to vector<128x1xf32>
    %sqrt3A_34 = math.sqrt %broadcast_in_dim3A_33 : vector<128x1xf32>
    %max3A_35 = arith.constant 9.99999996E-13 : f32
    %max3A_36 = vector.broadcast %max3A_35 : f32 to vector<128x1xf32>
    %max3A_37 = arith.maximumf %sqrt3A_34, %max3A_36 : vector<128x1xf32>
    %square3A_38 = arith.mulf %max3A_37, %max3A_37 : vector<128x1xf32>
    %dot_general3A_39 = arith.constant dense<0.000000e+00> : vector<2000x128xf32>
    %dot_general3A_40 = tpu.matmul %square3A, %square3A_38, %dot_general3A_39 {dimension_numbers = #tpu.dot_dimension_numbers<[1], [1], [0], [0], [0, 0, 1, 0], [], []>, transpose_lhs_hint = false} : vector<2000x1xf32>, vector<128x1xf32>, vector<2000x128xf32> -> vector<2000x128xf32>
    %sqrt3A_41 = math.sqrt %dot_general3A_40 : vector<2000x128xf32>
    %div3A_42 = arith.divf %dot_general3A_25, %sqrt3A_41 : vector<2000x128xf32>
    %max3A_43 = arith.constant 9.99999997E-7 : f32
    %max3A_44 = vector.broadcast %max3A_43 : f32 to vector<2000x128xf32>
    %max3A_45 = arith.maximumf %div3A_42, %max3A_44 : vector<2000x128xf32>
    %mul3A_46 = arith.mulf %dot_general3A_25, %max3A_45 : vector<2000x128xf32>
    %swap3A = arith.constant 0 : index
    %swap3A_47 = arith.constant 0 : index
    %swap3A_48 = vector.load %arg8[%swap3A, %swap3A_47] : memref<2000x128xf32, #tpu.memory_space<vmem>>, vector<2000x128xf32>
    tpu.vector_store %arg8[%swap3A, %swap3A_47], %mul3A_46 {strides = array<i32>} : memref<2000x128xf32, #tpu.memory_space<vmem>>, vector<2000x128xf32>,
    %get3A_49 = arith.constant 0 : index
    %get3A_50 = arith.constant 0 : index
    %get3A_51 = vector.load %arg7[%get3A_49, %get3A_50] : memref<128x128xf32, #tpu.memory_space<vmem>>, vector<128x128xf32>
    %dot_general3A_52 = arith.constant dense<0.000000e+00> : vector<2000x128xf32>
    %dot_general3A_53 = tpu.matmul %max3A_21, %get3A_51, %dot_general3A_52 {dimension_numbers = #tpu.dot_dimension_numbers<[1], [1], [0], [0], [0, 0, 1, 0], [], []>, transpose_lhs_hint = false} : vector<2000x128xf32>, vector<128x128xf32>, vector<2000x128xf32> -> vector<2000x128xf32>
    %swap3A_54 = arith.constant 0 : index
    %swap3A_55 = arith.constant 0 : index
    %swap3A_56 = vector.load %arg9[%swap3A_54, %swap3A_55] : memref<2000x128xf32, #tpu.memory_space<vmem>>, vector<2000x128xf32>
    tpu.vector_store %arg9[%swap3A_54, %swap3A_55], %dot_general3A_53 {strides = array<i32>} : memref<2000x128xf32, #tpu.memory_space<vmem>>, vector<2000x128xf32>,
    return
  }
  func.func @transform_0(%arg0: i32) -> (i32, i32) {
    %c0_i32 = arith.constant 0 : i32
    %c0_i32_0 = arith.constant 0 : i32
    return %arg0, %c0_i32 : i32, i32
  }
  func.func @transform_1(%arg0: i32) -> (i32, i32) {
    %c0_i32 = arith.constant 0 : i32
    %c0_i32_0 = arith.constant 0 : i32
    return %arg0, %c0_i32 : i32, i32
  }
  func.func @transform_2(%arg0: i32) -> (i32, i32) {
    %c0_i32 = arith.constant 0 : i32
    %c0_i32_0 = arith.constant 0 : i32
    return %arg0, %c0_i32 : i32, i32
  }
  func.func @transform_3(%arg0: i32) -> (i32, i32) {
    %c0_i32 = arith.constant 0 : i32
    %c0_i32_0 = arith.constant 0 : i32
    return %arg0, %c0_i32 : i32, i32
  }
  func.func @transform_4(%arg0: i32) -> (i32, i32) {
    %c0_i32 = arith.constant 0 : i32
    %c0_i32_0 = arith.constant 0 : i32
    return %arg0, %c0_i32 : i32, i32
  }
  func.func @transform_5(%arg0: i32) -> (i32, i32) {
    %c0_i32 = arith.constant 0 : i32
    %c0_i32_0 = arith.constant 0 : i32
    %c0_i32_1 = arith.constant 0 : i32
    return %c0_i32, %c0_i32_0 : i32, i32
  }
  func.func @transform_6(%arg0: i32) -> (i32, i32) {
    %c0_i32 = arith.constant 0 : i32
    %c0_i32_0 = arith.constant 0 : i32
    %c0_i32_1 = arith.constant 0 : i32
    return %c0_i32, %c0_i32_0 : i32, i32
  }
  func.func @transform_7(%arg0: i32) -> (i32, i32) {
    %c0_i32 = arith.constant 0 : i32
    %c0_i32_0 = arith.constant 0 : i32
    return %arg0, %c0_i32 : i32, i32
  }
  func.func @transform_8(%arg0: i32) -> (i32, i32) {
    %c0_i32 = arith.constant 0 : i32
    %c0_i32_0 = arith.constant 0 : i32
    return %arg0, %c0_i32 : i32, i32
  }
}

module attributes {stable_mosaic.version = 14 : i64} {
  func.func @_tc3_body(%arg0: i32, %arg1: memref<2000x128xf32, #tpu.memory_space<vmem>>, %arg2: memref<2000x128xf32, #tpu.memory_space<vmem>>, %arg3: memref<2000x128xf32, #tpu.memory_space<vmem>>, %arg4: memref<2000x128xf32, #tpu.memory_space<vmem>>, %arg5: memref<2000x128xf32, #tpu.memory_space<vmem>>, %arg6: memref<2000x128xf32, #tpu.memory_space<vmem>>) attributes {dimension_semantics = [#tpu.dimension_semantics<arbitrary>], iteration_bounds = array<i64: 5>, scalar_prefetch = 0 : i64, scratch_operands = 0 : i64, tpu.core_type = #tpu.core_type<tc>, window_params = [{transform_indices = @transform_0, window_bounds = array<i64: 2000, 128>}, {transform_indices = @transform_1, window_bounds = array<i64: 2000, 128>}, {transform_indices = @transform_2, window_bounds = array<i64: 2000, 128>}, {transform_indices = @transform_3, window_bounds = array<i64: 2000, 128>}, {transform_indices = @transform_4, window_bounds = array<i64: 2000, 128>}, {transform_indices = @transform_5, window_bounds = array<i64: 2000, 128>}]} {
    %get3A = arith.constant 0 : index
    %get3A_0 = arith.constant 0 : index
    %get3A_1 = vector.load %arg3[%get3A, %get3A_0] : memref<2000x128xf32, #tpu.memory_space<vmem>>, vector<2000x1xf32>
    %get3A_2 = arith.constant 0 : index
    %get3A_3 = arith.constant 0 : index
    %get3A_4 = vector.load %arg4[%get3A_2, %get3A_3] : memref<2000x128xf32, #tpu.memory_space<vmem>>, vector<2000x1xf32>
    %add3A = arith.addf %get3A_1, %get3A_4 : vector<2000x1xf32>
    %max3A = arith.constant 1.000000e+00 : f32
    %max3A_5 = vector.broadcast %max3A : f32 to vector<2000x1xf32>
    %max3A_6 = arith.maximumf %add3A, %max3A_5 : vector<2000x1xf32>
    %get3A_7 = arith.constant 0 : index
    %get3A_8 = arith.constant 0 : index
    %get3A_9 = vector.load %arg1[%get3A_7, %get3A_8] : memref<2000x128xf32, #tpu.memory_space<vmem>>, vector<2000x128xf32>
    %get3A_10 = arith.constant 0 : index
    %get3A_11 = arith.constant 0 : index
    %get3A_12 = vector.load %arg2[%get3A_10, %get3A_11] : memref<2000x128xf32, #tpu.memory_space<vmem>>, vector<2000x128xf32>
    %add3A_13 = arith.addf %get3A_9, %get3A_12 : vector<2000x128xf32>
    %div3A = vector.broadcast %max3A_6 : vector<2000x1xf32> to vector<2000x128xf32>
    %div3A_14 = arith.divf %add3A_13, %div3A : vector<2000x128xf32>
    %get3A_15 = arith.constant 0 : index
    %get3A_16 = arith.constant 0 : index
    %get3A_17 = vector.load %arg5[%get3A_15, %get3A_16] : memref<2000x128xf32, #tpu.memory_space<vmem>>, vector<2000x128xf32>
    %add3A_18 = arith.addf %div3A_14, %get3A_17 : vector<2000x128xf32>
    %swap3A = arith.constant 0 : index
    %swap3A_19 = arith.constant 0 : index
    %swap3A_20 = vector.load %arg6[%swap3A, %swap3A_19] : memref<2000x128xf32, #tpu.memory_space<vmem>>, vector<2000x128xf32>
    tpu.vector_store %arg6[%swap3A, %swap3A_19], %add3A_18 {strides = array<i32>} : memref<2000x128xf32, #tpu.memory_space<vmem>>, vector<2000x128xf32>,
    return
  }
  func.func @transform_0(%arg0: i32) -> (i32, i32) {
    %c0_i32 = arith.constant 0 : i32
    %c0_i32_0 = arith.constant 0 : i32
    return %arg0, %c0_i32 : i32, i32
  }
  func.func @transform_1(%arg0: i32) -> (i32, i32) {
    %c0_i32 = arith.constant 0 : i32
    %c0_i32_0 = arith.constant 0 : i32
    return %arg0, %c0_i32 : i32, i32
  }
  func.func @transform_2(%arg0: i32) -> (i32, i32) {
    %c0_i32 = arith.constant 0 : i32
    %c0_i32_0 = arith.constant 0 : i32
    return %arg0, %c0_i32 : i32, i32
  }
  func.func @transform_3(%arg0: i32) -> (i32, i32) {
    %c0_i32 = arith.constant 0 : i32
    %c0_i32_0 = arith.constant 0 : i32
    return %arg0, %c0_i32 : i32, i32
  }
  func.func @transform_4(%arg0: i32) -> (i32, i32) {
    %c0_i32 = arith.constant 0 : i32
    %c0_i32_0 = arith.constant 0 : i32
    return %arg0, %c0_i32 : i32, i32
  }
  func.func @transform_5(%arg0: i32) -> (i32, i32) {
    %c0_i32 = arith.constant 0 : i32
    %c0_i32_0 = arith.constant 0 : i32
    return %arg0, %c0_i32 : i32, i32
  }
}

</mosaic_0001>

<sc_bundles>
// kernel: kernel.11.cloned.1.call-start
scs
__scs_entry_jumppad:
0x0: {  	(pc) =	sbr.rel $0x88, $3  }
0x1: {  	(tag) =	ssettag $0x0;
	lr =	simm.s32 $0x1  }
0x2: {  	[smem:$0x3F9B] =	sst lr;
	_ =	strace $0xD0000000  }
0x3: {  	_ = 	snop  }
0x4: {  	_ = 	snop  }
0x5: {  	_ = 	snop  }
0x6: {  	_ = 	snop  }
0x7: {  	_ = 	snop  }
__scs_overlays_trampoline_lowered:
0x8: {  	[smem:$0x3FAA] =	sst s0  }
0x9: {  	[smem:$0x3FAB] =	sst s1  }
0xa: {  	[smem:$0x3FAC] =	sst s2  }
0xb: {  	[smem:$0x3FAD] =	sst s3  }
0xc: {  	[smem:$0x3FAE] =	sst s4  }
0xd: {  	[smem:$0x3FAF] =	sst s5  }
0xe: {  	[smem:$0x3FB0] =	sst s6  }
0xf: {  	[smem:$0x3FB1] =	sst s7  }
0x10: {  	[smem:$0x3FB2] =	sst s8  }
0x11: {  	[smem:$0x3FB3] =	sst s9;
	s0 =	simm.s32 @!p0 $0x0  }
0x12: {  	s1 =	sld [smem:$0x3F99];
	s0 =	simm.s32 @p0 $0x1  }
0x13: {  	[smem:$0x3FB4] =	sst s0;
	s0 =	simm.s32 @!p1 $0x0  }
0x14: {  	s2 =	sld [smem:$0x3F98];
	s0 =	simm.s32 @p1 $0x1  }
0x15: {  	[smem:$0x3FB5] =	sst s0;
	s0 =	simm.s32 @!p2 $0x0  }
0x16: {  	s3 =	sld [smem:$0x3FDB];
	s0 =	simm.s32 @p2 $0x1  }
0x17: {  	s4 =	simm.s32 $0x1BF5;
	[smem:$0x3FB7] =	sst s0  }
0x18: {  	s0 =	sld [smem:$0x3F9A];
	_ =	swait.ge [sflag:s4], $0x0  }
0x19: {  	s7 =	sld [smem:$0x3F9B]  }
0x1a: {  	s8 =	sadd.s32 $0xFFFFE003, lr  }
0x1b: {  	s9 =	sadd.s32 $0xFFFFFEF7, lr;
	s5 =	simm.s32 $0xFFFFFFFF;
	p2 =	slt.u32 s8, $0xFFFFF086  }
0x1c: {  	p1 =	slt.u32 s9, $0xF7A;
	s5 =	simm.s32 @!p2 $0x0  }
0x1d: {  	s5 =	simm.s32 @p1 $0x1;
	p0 =	seq.s32 s7, s2  }
0x1e: {  	s7 =	smul.u32 @!p0 $0xF7A, s2;
	p2 =	seq.s32 @!p0 s5, $0x0  }
0x1f: {  	s9 =	smul.u32 $0xF7A, s1;
	s8 =	simm.s32 @!p0 $0x1BF5;
	p2 =	por !p2, p0  }
0x20: {  	[sflag:s8] =	ssyncset.s32 @!p0 $0xFFFFF086;
	s6 =	sadd.s32 @!p0 s3, s7;
	s7 =	simm.s32 @!p0 $0x108  }
0x21: {  	s3 =	sadd.s32 s3, s9;
	s6 =	sadd.s32 @!p0 $0x88, s6;
	s7 =	simm.s32 @p2 $0x1082  }
0x22: {  	[simem:s7], [sflag:s8] =	dma.local @!p0 [hbm:s6], $0xF7A  }
0x23: {  	s9 =	sor.u32 $0xD0000000, s2;
	s6 =	simm.s32 $0x108;
	_ =	swait.ge @!p0 [sflag:s8], $0x0  }
0x24: {  	s3 =	sadd.s32 $0x88, s3;
	s6 =	simm.s32 @!p1 $0x1082;
	[sflag:s4] =	ssyncset.s32 $0xFFFFF086  }
0x25: {  	[simem:s6], [sflag:s4] =	dma.local [hbm:s3], $0xF7A  }
0x26: {  	[smem:$0x3F9B] =	sst s1;
	(tag) =	ssettag s2;
	_ =	strace s9  }
0x27: {  	s1 =	sld [smem:$0x3FAB]  }
0x28: {  	s2 =	sld [smem:$0x3FAC]  }
0x29: {  	s4 =	sld [smem:$0x3FAE]  }
0x2a: {  	p0 =	seq.s32 s5, $0x0;
	s5 =	sld [smem:$0x3FAF]  }
0x2b: {  	s6 =	sld [smem:$0x3FB0]  }
0x2c: {  	s7 =	sld [smem:$0x3FB1]  }
0x2d: {  	s3 =	simm.s32 $0x108;
	s8 =	sld [smem:$0x3FB2]  }
0x2e: {  	s3 =	simm.s32 @!p0 $0x1082;
	s9 =	sld [smem:$0x3FB3]  }
0x2f: {  	lr =	sadd.s32 s0, s3;
	s0 =	sld [smem:$0x3FAA]  }
0x30: {  	s3 =	sld [smem:$0x3FAD]  }
0x31: {  	[smem:$0x3FB6] =	sst s10  }
0x32: {  	s10 =	sld [smem:$0x3FB4];
	_ =	sdelay $0x3  }
0x33: {  	p0 =	seq.s32 s10, $0x1;
	s10 =	sld [smem:$0x3FB6];
	_ =	sdelay $0x3  }
0x34: {  	[smem:$0x3FB6] =	sst s10  }
0x35: {  	s10 =	sld [smem:$0x3FB5];
	_ =	sdelay $0x3  }
0x36: {  	p1 =	seq.s32 s10, $0x1;
	s10 =	sld [smem:$0x3FB6];
	_ =	sdelay $0x3  }
0x37: {  	[smem:$0x3FB6] =	sst s10  }
0x38: {  	s10 =	sld [smem:$0x3FB7]  }
0x39: {  	_ = 	snop;
	(pc) =	sbr.ind lr, $3  }
0x3a: {  	_ = 	snop  }
0x3b: {  	_ = 	snop  }
0x3c: {  	p2 =	seq.s32 s10, $0x1;
	s10 =	sld [smem:$0x3FB6]  }
0x3d: {  	_ =	shalt  }
0x3e: {  	_ =	shalt  }
0x3f: {  	_ =	shalt  }
0x40: {  	_ =	shalt  }
0x41: {  	_ =	shalt  }
0x42: {  	_ =	shalt  }
0x43: {  	_ =	shalt  }
0x44: {  	_ =	shalt  }
0x45: {  	_ =	shalt  }
0x46: {  	_ =	shalt  }
0x47: {  	_ =	shalt  }
0x48: {  	_ =	shalt  }
0x49: {  	_ =	shalt  }
0x4a: {  	_ =	shalt  }
0x4b: {  	_ =	shalt  }
0x4c: {  	_ =	shalt  }
0x4d: {  	_ =	shalt  }
0x4e: {  	_ =	shalt  }
0x4f: {  	_ =	shalt  }
0x50: {  	_ =	shalt  }
0x51: {  	_ =	shalt  }
0x52: {  	_ =	shalt  }
0x53: {  	_ =	shalt  }
0x54: {  	_ =	shalt  }
0x55: {  	_ =	shalt  }
0x56: {  	_ =	shalt  }
0x57: {  	_ =	shalt  }
0x58: {  	_ =	shalt  }
0x59: {  	_ =	shalt  }
0x5a: {  	_ =	shalt  }
0x5b: {  	_ =	shalt  }
0x5c: {  	_ =	shalt  }
0x5d: {  	_ =	shalt  }
0x5e: {  	_ =	shalt  }
0x5f: {  	_ =	shalt  }
0x60: {  	_ =	shalt  }
0x61: {  	_ =	shalt  }
0x62: {  	_ =	shalt  }
0x63: {  	_ =	shalt  }
0x64: {  	_ =	shalt  }
0x65: {  	_ =	shalt  }
0x66: {  	_ =	shalt  }
0x67: {  	_ =	shalt  }
0x68: {  	_ =	shalt  }
0x69: {  	_ =	shalt  }
0x6a: {  	_ =	shalt  }
0x6b: {  	_ =	shalt  }
0x6c: {  	_ =	shalt  }
0x6d: {  	_ =	shalt  }
0x6e: {  	_ =	shalt  }
0x6f: {  	_ =	shalt  }
0x70: {  	_ =	shalt  }
0x71: {  	_ =	shalt  }
0x72: {  	_ =	shalt  }
0x73: {  	_ =	shalt  }
0x74: {  	_ =	shalt  }
0x75: {  	_ =	shalt  }
0x76: {  	_ =	shalt  }
0x77: {  	_ =	shalt  }
0x78: {  	_ =	shalt  }
0x79: {  	_ =	shalt  }
0x7a: {  	_ =	shalt  }
0x7b: {  	_ =	shalt  }
0x7c: {  	_ =	shalt  }
0x7d: {  	_ =	shalt  }
0x7e: {  	_ =	shalt  }
0x7f: {  	_ =	shalt  }
0x80: {  	_ =	shalt  }
0x81: {  	_ =	shalt  }
0x82: {  	_ =	shalt  }
0x83: {  	_ =	shalt  }
0x84: {  	_ =	shalt  }
0x85: {  	_ =	shalt  }
0x86: {  	_ =	shalt  }
0x87: {  	_ =	shalt  }
.Lfunc_end0:
.L_simem_size_0:
called_computation.1_lowered:
.L_overlay_start_0:
0x88: {  	s2 =	sld [smem:$0x3FD9]  }
0x89: {  	s3 =	sld [smem:$0x3FFE];
	_ =	sdelay $0x1  }
0x8a: {  	s1 =	srdreg.scid  }
0x8b: {  	s0 =	sand.u32 $0x1, s1  }
0x8c: {  	s17 =	sshll.u32 s0, $0xA;
	s2 =	sadd.s32 s3, s2  }
0x8d: {  	s2 =	sadd.s32 s2, s17  }
0x8e: {  	[smem:$0x3FC2] =	sst s2  }
0x8f: {  	_ = 	snop  }
0x90: {  	s2 =	sld [smem:$0x3FD0];
	(tm) =	ssettm $0x1  }
0x91: {  	s18 =	sld [smem:$0x3FFB];
	_ =	sdelay $0x3  }
0x92: {  	_ =	strace s18  }
0x93: {  	s3 =	sld [smem:$0x3FFC];
	_ =	sdelay $0x3  }
0x94: {  	_ =	strace s3  }
0x95: {  	s3 =	sld [smem:$0x3FFD];
	_ =	sdelay $0x3  }
0x96: {  	_ =	strace s3  }
0x97: {  	_ =	strace $0x8FFFFFFF  }
0x98: {  	s19 =	sld [smem:$0x3FDB];
	_ =	sdelay $0x1  }
0x99: {  	s4 =	simm.s32 $_scs_section_size  }
0x9a: {  	s5 =	simm.s32 $_size__tile_overlayer_lowered;
	s6 =	simm.s32 $_tile_overlayer_lowered  }
0x9b: {  	s22 =	simm.s32 $0x1BFF;
	s21 =	sshll.u32 s6, $0x1;
	s3 =	sadd.s32 s4, s19  }
0x9c: {  	s7 =	simm.s32 $0x0;
	s20 =	sshll.u32 s5, $0x1;
	s5 =	sadd.s32 s21, s3  }
0x9d: {  	[timem:s7], [sflag:s22] =	dma.local [hbm:s5], s20  }
0x9e: {  	_ =	swait.ge [sflag:s22], s20  }
0x9f: {  	s4 =	ssub.s32 $0x0, s20;
	[sflag:s22] =	ssyncset.done $0x0  }
0xa0: {  	[sflag:s22] =	ssyncadd.s32 s4;
	_ =	sdelay $0x1  }
0xa1: {  	s23 =	simm.s32 $0x1B8B  }
0xa2: {  	_ =	swait.ge [sflag:s23], $0x1  }
0xa3: {  	[sflag:s23] =	ssyncset.done $0x0  }
0xa4: {  	s25 =	simm.s32 $0x1B8E;
	s24 =	sld [smem:$0x3FFE];
	[sflag:s23] =	ssyncadd.s32 $0xFFFFFFFF  }
0xa5: {  	s26 =	simm.s32 $execute0_lowered;
	[smem:$0x3FD2] =	sst s25  }
0xa6: {  	s5 =	sshll.u32 s26, $0x1;
	_ =	strace $0x80000046;
	[dreg:$0x1] =	wrdreg $0xFFFFFFFF  }
0xa7: {  	s28 =	simm.s32 $_size_execute0_lowered;
	s3 =	sadd.s32 s3, s5;
	[dreg:$0x0] =	wrdreg $0x0  }
0xa8: {  	s5 =	sshll.u32 s28, $0x1;
	[dreg:$0x2] =	wrdreg s3  }
0xa9: {  	[dreg:$0x3] =	wrdreg s5  }
0xaa: {  	[dreg:$0x4] =	wrdreg $0xC0  }
0xab: {  	_ =	task [dreg:s7], $0x5FFFF  }
0xac: {  	[dreg:$0x1] =	wrdreg $0xFFFFFFFF  }
0xad: {  	[dreg:$0x0] =	wrdreg $0x60  }
0xae: {  	[dreg:$0x2] =	wrdreg s2  }
0xaf: {  	[dreg:$0x3] =	wrdreg s24  }
0xb0: {  	[dreg:$0x4] =	wrdreg $0x82000  }
0xb1: {  	[dreg:$0x5] =	wrdreg $0xA  }
0xb2: {  	_ =	task.clear_ibuf [dreg:s7], $0x6FFFF;
	_ =	strace $0x90000046  }
0xb3: {  	s29 =	simm.s32 $0xA;
	_ =	strace $0x80000048  }
0xb4: {  	_ =	swait.ge [sflag:s29], $0x1  }
0xb5: {  	[sflag:s29] =	ssyncadd.s32 $0xFFFFFFFF  }
0xb6: {  	_ =	strace $0x90000048  }
0xb7: {  	_ =	sfence  }
0xb8: {  	s30 =	sld [smem:$0x0];
	_ =	sdelay $0x2  }
0xb9: {  	s31 =	sshll.u32 s1, $0xD;
	s1 =	sshrl.u32 s1, $0x2  }
0xba: {  	s3 =	sand.u32 $0x4000, s31;
	s1 =	sadd.s32 s1, s30  }
0xbb: {  	s0 =	sor.u32 s3, s0;
	s1 =	sshll.u32 s1, $0x11  }
0xbc: {  	s0 =	sor.u32 s1, s0  }
0xbd: {  	s0 =	sadd.s32 $0x8F2B, s0  }
0xbe: {  	[sflag:s0] =	ssyncadd.remote.s32 $0x1  }
0xbf: {  	_ =	sfence.sel $0xFFFF  }
0xc0: {  	[dreg:$0x0] =	wrdreg $0xFFFFFFFF;
	(pc) =	sbr.abs _section_cstart, $3  }
0xc1: {  	[dreg:$0x1] =	wrdreg $0xFFFFFFFF  }
0xc2: {  	_ =	task.clear_ibuf [dreg:s7], $0x2FFFF;
	_ =	strace $0x9FFFFFFF  }
0xc3: {  	(tm) =	ssettm $0x7FFFFFFF  }
tec
execute0_lowered:
.L_overlay_start_1:
0x0: {  	(tag) =	ssettag $0x1  }
0x1: {  	s1 =	rddreg [dreg:$0x0]  }
0x2: {  	s0 =	rddreg [dreg:$0x1];
	s15 =	stileid.u32  }
0x3: {  	s3 =	srdreg.scid;
	s11 =	smul.u32 $0x50000, s15  }
0x4: {  	s2 =	simm.s32 $0x0;
	s16 =	rddreg [dreg:$0x2];
	s13 =	smul.u32 $0x14000, s15  }
0x5: {  	s3 =	sand.u32 $0x1, s3;
	s4 =	sshll.u32 s15, $0x1;
	s15 =	smul.u32 $0x9E, s15  }
0x6: {  	[smem:$0x7FF] =	sst s2;
	s12 =	smul.u32 $0x140000, s3  }
0x7: {  	s4 =	sor.u32 s3, s4;
	s6 =	ssub.s32 $0x2, s3;
	s3 =	smul.u32 $0x4F, s3  }
0x8: {  	s5 =	sadd.s32 $0xCC00, s0;
	s9 =	sadd.s32 $0x2E00, s0;
	s7 =	smul.u32 $0x4F0, s4  }
0x9: {  	s10 =	sadd.s32 $0x3E400, s0;
	s8 =	sshrl.u32 s6, $0x1;
	s4 =	smul.u32 $0x2780, s4  }
0xa: {  	s0 =	sadd.s32 $0x3DC00, s0;
	s6 =	ssub.s32 s6, s8;
	s14 =	sadd.s32 s12, s13  }
0xb: {  	s3 =	sadd.s32 s3, s15;
	s17 =	sadd.s32 s9, s7;
	s4 =	sshrl.u32 s4, $0x3  }
0xc: {  	s18 =	sadd.s32 s5, s7;
	s20 =	sadd.s32 $0x4E0, s7;
	s21 =	sshrl.u32 s14, $0x3  }
0xd: {  	s14 =	sadd.s32 $0x8000, s13;
	s3 =	sshll.u32 s3, $0x4;
	[dreg:$0x4] =	wrdreg s17  }
0xe: {  	[dreg:$0x5] =	wrdreg s18;
	s4 =	sadd.s32 $0x10, s4;
	s7 =	sadd.s32 s9, s20  }
0xf: {  	s18 =	sadd.s32 $0x4000, s13;
	s8 =	sadd.s32 s5, s20;
	s24 =	sadd.s32 s12, s14  }
0x10: {  	s20 =	sadd.s32 $0xC000, s13;
	s13 =	sadd.s32 $0x10000, s13;
	s19 =	sadd.s32 s9, s4  }
0x11: {  	s4 =	sadd.s32 s5, s4;
	s22 =	sadd.s32 s12, s18;
	[dreg:$0x6] =	wrdreg s19  }
0x12: {  	s25 =	sadd.s32 s12, s20;
	s12 =	sadd.s32 s12, s13;
	[dreg:$0x7] =	wrdreg s4  }
0x13: {  	s4 =	sadd.s32 s10, s21;
	s23 =	sshrl.u32 s22, $0x3;
	s26 =	sshrl.u32 s12, $0x3  }
0x14: {  	s12 =	sadd.s32 s3, s9;
	s21 =	sadd.s32 $0x30, s3;
	s3 =	sadd.s32 s3, s5  }
0x15: {  	s22 =	sshrl.u32 s11, $0x2;
	s11 =	simm.s32 $0x4;
	[dreg:$0x8] =	wrdreg s4  }
0x16: {  	s4 =	sadd.s32 s10, s23;
	s15 =	sadd.s32 s21, s9;
	s17 =	sadd.s32 s21, s5  }
0x17: {  	s19 =	sadd.s32 s22, s16;
	[dreg:$0x9] =	wrdreg s4;
	s4 =	sshrl.u32 s24, $0x3  }
0x18: {  	s23 =	smax.u32 s6, $0x1;
	s5 =	simm.s32 $0x2;
	s4 =	sadd.s32 s10, s4  }
0x19: {  	s6 =	simm.s32 $0x100;
	[dreg:$0xa] =	wrdreg s4;
	s4 =	sshrl.u32 s25, $0x3  }
0x1a: {  	s9 =	simm.s32 $0x180;
	s24 =	sadd.s32 s18, s16;
	s4 =	sadd.s32 s10, s4  }
0x1b: {  	s28 =	sadd.s32 $0x4000, s19;
	[dreg:$0xb] =	wrdreg s4;
	s4 =	sadd.s32 s10, s26  }
0x1c: {  	s29 =	sadd.s32 $0x8000, s19;
	s30 =	sadd.s32 $0xC000, s19;
	[dreg:$0xc] =	wrdreg s4  }
0x1d: {  	s31 =	sadd.s32 $0x10000, s19;
	_ =	strace $0x80000047;
	[dreg:$0xd] =	wrdreg s0  }
0x1e: {  	s18 =	simm.s32 $0x6;
	s25 =	sadd.s32 s14, s16;
	[dreg:$0xe] =	wrdreg s23  }
0x1f: {  	s14 =	simm.s32 $0x200;
	s26 =	sadd.s32 s20, s16;
	[dreg:$0xf] =	wrdreg s24  }
0x20: {  	s10 =	simm.s32 $0x3;
	s20 =	simm.s32 $0x0;
	[dreg:$0x10] =	wrdreg s25  }
0x21: {  	s4 =	simm.s32 $0x1;
	[dreg:$0x11] =	wrdreg s26;
	s24 =	sadd.s32 s13, s16  }
0x22: {  	s25 =	sadd.s32 $0x20, s12;
	s26 =	sadd.s32 $0x20, s3;
	s0 =	simm.s32 $0x7  }
0x23: {  	s3 =	simm.s32 $0x80;
	s12 =	simm.s32 $0x5;
	s13 =	simm.s32 $0x4200  }
.LBB2_1:
0x24: {  	s21 =	rddreg [dreg:$0xd]  }
0x25: {  	[tilespmem:s14], [sflag:$0x7] =	stream.linear.gather [hbm4b:s21+s2], $0x4000, $0x38;
	[tilespmem:$0x1C200] =	vst v63  }
0x26: {  	_ =	swait.ge [sflag:s0], $0x4000  }
0x27: {  	[sflag:s0] =	ssyncset.done $0x0  }
0x28: {  	[sflag:s0] =	ssyncadd.s32 $0xFFFFC000  }
0x29: {  	[spmem:s19] =	stream.linear.scatter [tilespmem:s14], [sflag:$0x7], $0x4000, $0x38;
	[tilespmem:$0x1C200] =	vst v63  }
0x2a: {  	_ =	swait.ge [sflag:s0], $0x4000  }
0x2b: {  	[sflag:s0] =	ssyncset.done $0x0  }
0x2c: {  	[sflag:s0] =	ssyncadd.s32 $0xFFFFC000  }
0x2d: {  	[spmem:s28] =	stream.linear.scatter [tilespmem:s14], [sflag:$0x7], $0x4000, $0x38;
	[tilespmem:$0x1C200] =	vst v63  }
0x2e: {  	_ =	swait.ge [sflag:s0], $0x4000  }
0x2f: {  	[sflag:s0] =	ssyncset.done $0x0  }
0x30: {  	[sflag:s0] =	ssyncadd.s32 $0xFFFFC000  }
0x31: {  	[spmem:s29] =	stream.linear.scatter [tilespmem:s14], [sflag:$0x7], $0x4000, $0x38;
	[tilespmem:$0x1C200] =	vst v63  }
0x32: {  	_ =	swait.ge [sflag:s0], $0x4000  }
0x33: {  	[sflag:s0] =	ssyncset.done $0x0  }
0x34: {  	[sflag:s0] =	ssyncadd.s32 $0xFFFFC000  }
0x35: {  	[spmem:s30] =	stream.linear.scatter [tilespmem:s14], [sflag:$0x7], $0x4000, $0x38;
	[tilespmem:$0x1C200] =	vst v63  }
0x36: {  	_ =	swait.ge [sflag:s0], $0x4000  }
0x37: {  	[sflag:s0] =	ssyncset.done $0x0  }
0x38: {  	[sflag:s0] =	ssyncadd.s32 $0xFFFFC000  }
0x39: {  	[spmem:s31] =	stream.linear.scatter [tilespmem:s14], [sflag:$0x7], $0x4000, $0x38;
	[tilespmem:$0x1C200] =	vst v63  }
0x3a: {  	_ =	swait.ge [sflag:s0], $0x4000  }
0x3b: {  	[sflag:s0] =	ssyncset.done $0x0  }
0x3c: {  	[sflag:s0] =	ssyncadd.s32 $0xFFFFC000  }
0x3d: {  	[bflag:$0x0] =	sbarrier.arrive $0xFFFF  }
0x3e: {  	s23 =	rddreg [dreg:$0x4]  }
0x3f: {  	[tilespmem:s2], [sflag:$0x1] =	stream.linear.gather [hbm4b:s23+s2], $0x80, $0x38;
	[tilespmem:$0x1C200] =	vst v63  }
0x40: {  	s22 =	rddreg [dreg:$0x5]  }
0x41: {  	[tilespmem:s3], [sflag:$0x2] =	stream.linear.gather [hbm4b:s22+s2], $0x80, $0x38;
	[tilespmem:$0x1C200] =	vst v63  }
0x42: {  	_ =	swait.ge [sflag:s4], $0x80  }
0x43: {  	[sflag:s4] =	ssyncset.done $0x0  }
0x44: {  	[sflag:s4] =	ssyncadd.s32 $0xFFFFFF80  }
0x45: {  	_ =	swait.ge [sflag:s5], $0x80  }
0x46: {  	[sflag:s5] =	ssyncset.done $0x0  }
0x47: {  	s23 =	rddreg [dreg:$0x6];
	[sflag:s5] =	ssyncadd.s32 $0xFFFFFF80  }
0x48: {  	[tilespmem:s6], [sflag:$0x4] =	stream.linear.gather [hbm4b:s23+s2], $0x80, $0x38;
	[tilespmem:$0x1C200] =	vst v63  }
0x49: {  	s22 =	rddreg [dreg:$0x7]  }
0x4a: {  	[tilespmem:s9], [sflag:$0x5] =	stream.linear.gather [hbm4b:s22+s2], $0x80, $0x38;
	[tilespmem:$0x1C200] =	vst v63  }
0x4b: {  	_ = 	snop  }
0x4c: {  	[tilespmem:s14], [sflag:$0x3] =	stream.indirect.gather [hbm4b:s1+s3], $0x80, s2, s3, $0xb8;
	[tilespmem:$0x1C200] =	vst v63  }
0x4d: {  	_ =	swait.ge [sflag:s10], $0x4000  }
0x4e: {  	[sflag:s10] =	ssyncset.done $0x0  }
0x4f: {  	[sflag:s10] =	ssyncadd.s32 $0xFFFFC000  }
0x50: {  	_ =	swait.ge [sflag:s11], $0x80  }
0x51: {  	[sflag:s11] =	ssyncset.done $0x0  }
0x52: {  	[sflag:s11] =	ssyncadd.s32 $0xFFFFFF80  }
0x53: {  	_ =	swait.ge [sflag:s12], $0x80  }
0x54: {  	[sflag:s12] =	ssyncset.done $0x0  }
0x55: {  	[sflag:s12] =	ssyncadd.s32 $0xFFFFFF80  }
0x56: {  	[tilespmem:s13], [sflag:$0x6] =	stream.indirect.gather [hbm4b:s1+s3], $0x80, s6, s3, $0xb8;
	[tilespmem:$0x1C200] =	vst v63  }
0x57: {  	_ = 	snop  }
0x58: {  	[spmem:s16] =	stream.indirect.scatter.add.f32 [tilespmem:s14], [sflag:$0x7], $0x80, s3, s3, $0xb8;
	[tilespmem:$0x1C200] =	vst v63  }
0x59: {  	_ =	swait.ge [sflag:s0], $0x4000  }
0x5a: {  	[sflag:s0] =	ssyncset.done $0x0  }
0x5b: {  	s23 =	sadd.s32 $0x0, s25;
	[sflag:s0] =	ssyncadd.s32 $0xFFFFC000  }
0x5c: {  	[tilespmem:s2], [sflag:$0x1] =	stream.linear.gather [hbm4b:s23+s2], $0x80, $0x38;
	[tilespmem:$0x1C200] =	vst v63  }
0x5d: {  	s22 =	sadd.s32 $0x0, s26  }
0x5e: {  	[tilespmem:s3], [sflag:$0x2] =	stream.linear.gather [hbm4b:s22+s2], $0x80, $0x38;
	[tilespmem:$0x1C200] =	vst v63  }
0x5f: {  	_ =	swait.ge [sflag:s18], $0x4000  }
0x60: {  	[sflag:s18] =	ssyncset.done $0x0  }
0x61: {  	[sflag:s18] =	ssyncadd.s32 $0xFFFFC000  }
0x62: {  	_ =	swait.ge [sflag:s4], $0x80  }
0x63: {  	[sflag:s4] =	ssyncset.done $0x0  }
0x64: {  	[sflag:s4] =	ssyncadd.s32 $0xFFFFFF80  }
0x65: {  	_ =	swait.ge [sflag:s5], $0x80  }
0x66: {  	[sflag:s5] =	ssyncset.done $0x0  }
0x67: {  	[sflag:s5] =	ssyncadd.s32 $0xFFFFFF80  }
0x68: {  	[tilespmem:s14], [sflag:$0x3] =	stream.indirect.gather [hbm4b:s1+s3], $0x80, s2, s3, $0xb8;
	[tilespmem:$0x1C200] =	vst v63  }
0x69: {  	_ = 	snop  }
0x6a: {  	[spmem:s16] =	stream.indirect.scatter.add.f32 [tilespmem:s13], [sflag:$0x7], $0x80, s9, s3, $0xb8;
	[tilespmem:$0x1C200] =	vst v63  }
0x6b: {  	_ =	swait.ge [sflag:s0], $0x4000  }
0x6c: {  	s21 =	simm.s32 $0x20;
	[sflag:s0] =	ssyncset.done $0x0  }
0x6d: {  	s23 =	sadd.s32 $0x0, s15;
	s22 =	sadd.s32 $0x0, s17;
	[sflag:s0] =	ssyncadd.s32 $0xFFFFC000  }
0x6e: {  	[tilespmem:s6], [sflag:$0x4] =	stream.linear.gather [hbm4b:s23+s2], $0x80, $0x38;
	[tilespmem:$0x1C200] =	vst v63  }
.LBB2_2:
0x6f: {  	[tilespmem:s9], [sflag:$0x5] =	stream.linear.gather [hbm4b:s22+s2], $0x80, $0x38;
	[tilespmem:$0x1C200] =	vst v63  }
0x70: {  	s22 =	smov.u32 s21  }
0x71: {  	p0 =	sne.s32 s21, $0x4A0;
	s21 =	sadd.s32 $0x20, s21;
	_ =	swait.ge [sflag:s10], $0x4000  }
0x72: {  	[sflag:s10] =	ssyncset.done $0x0  }
0x73: {  	[sflag:s10] =	ssyncadd.s32 $0xFFFFC000  }
0x74: {  	_ =	swait.ge [sflag:s11], $0x80  }
0x75: {  	[sflag:s11] =	ssyncset.done $0x0  }
0x76: {  	[sflag:s11] =	ssyncadd.s32 $0xFFFFFF80  }
0x77: {  	_ =	swait.ge [sflag:s12], $0x80  }
0x78: {  	[sflag:s12] =	ssyncset.done $0x0  }
0x79: {  	[sflag:s12] =	ssyncadd.s32 $0xFFFFFF80  }
0x7a: {  	[tilespmem:s13], [sflag:$0x6] =	stream.indirect.gather [hbm4b:s1+s3], $0x80, s6, s3, $0xb8;
	[tilespmem:$0x1C200] =	vst v63  }
0x7b: {  	_ = 	snop  }
0x7c: {  	[spmem:s16] =	stream.indirect.scatter.add.f32 [tilespmem:s14], [sflag:$0x7], $0x80, s3, s3, $0xb8;
	[tilespmem:$0x1C200] =	vst v63  }
0x7d: {  	_ =	swait.ge [sflag:s0], $0x4000  }
0x7e: {  	[sflag:s0] =	ssyncset.done $0x0  }
0x7f: {  	s23 =	sadd.s32 s22, s25;
	[sflag:s0] =	ssyncadd.s32 $0xFFFFC000  }
0x80: {  	[tilespmem:s2], [sflag:$0x1] =	stream.linear.gather [hbm4b:s23+s2], $0x80, $0x38;
	[tilespmem:$0x1C200] =	vst v63  }
0x81: {  	s23 =	sadd.s32 s22, s26  }
0x82: {  	[tilespmem:s3], [sflag:$0x2] =	stream.linear.gather [hbm4b:s23+s2], $0x80, $0x38;
	[tilespmem:$0x1C200] =	vst v63  }
0x83: {  	_ =	swait.ge [sflag:s18], $0x4000  }
0x84: {  	[sflag:s18] =	ssyncset.done $0x0  }
0x85: {  	[sflag:s18] =	ssyncadd.s32 $0xFFFFC000  }
0x86: {  	_ =	swait.ge [sflag:s4], $0x80  }
0x87: {  	[sflag:s4] =	ssyncset.done $0x0  }
0x88: {  	[sflag:s4] =	ssyncadd.s32 $0xFFFFFF80  }
0x89: {  	_ =	swait.ge [sflag:s5], $0x80  }
0x8a: {  	[sflag:s5] =	ssyncset.done $0x0  }
0x8b: {  	[sflag:s5] =	ssyncadd.s32 $0xFFFFFF80  }
0x8c: {  	[tilespmem:s14], [sflag:$0x3] =	stream.indirect.gather [hbm4b:s1+s3], $0x80, s2, s3, $0xb8;
	[tilespmem:$0x1C200] =	vst v63  }
0x8d: {  	_ = 	snop  }
0x8e: {  	[spmem:s16] =	stream.indirect.scatter.add.f32 [tilespmem:s13], [sflag:$0x7], $0x80, s9, s3, $0xb8;
	[tilespmem:$0x1C200] =	vst v63  }
.Ltmp0:
0x8f: {  	_ =	swait.ge [sflag:s0], $0x4000;
	(pc) =	sbr.rel @p0 .LBB2_2-.Ltmp0, $4  }
0x90: {  	[sflag:s0] =	ssyncset.done $0x0  }
0x91: {  	s23 =	sadd.s32 s22, s15;
	[sflag:s0] =	ssyncadd.s32 $0xFFFFC000  }
0x92: {  	[tilespmem:s6], [sflag:$0x4] =	stream.linear.gather [hbm4b:s23+s2], $0x80, $0x38;
	[tilespmem:$0x1C200] =	vst v63  }
0x93: {  	s22 =	sadd.s32 s22, s17  }
0x94: {  	[tilespmem:s9], [sflag:$0x5] =	stream.linear.gather [hbm4b:s22+s2], $0x80, $0x38;
	[tilespmem:$0x1C200] =	vst v63  }
0x95: {  	_ =	swait.ge [sflag:s10], $0x4000  }
0x96: {  	[sflag:s10] =	ssyncset.done $0x0  }
0x97: {  	[sflag:s10] =	ssyncadd.s32 $0xFFFFC000  }
0x98: {  	_ =	swait.ge [sflag:s11], $0x80  }
0x99: {  	[sflag:s11] =	ssyncset.done $0x0  }
0x9a: {  	[sflag:s11] =	ssyncadd.s32 $0xFFFFFF80  }
0x9b: {  	_ =	swait.ge [sflag:s12], $0x80  }
0x9c: {  	[sflag:s12] =	ssyncset.done $0x0  }
0x9d: {  	[sflag:s12] =	ssyncadd.s32 $0xFFFFFF80  }
0x9e: {  	[tilespmem:s13], [sflag:$0x6] =	stream.indirect.gather [hbm4b:s1+s3], $0x80, s6, s3, $0xb8;
	[tilespmem:$0x1C200] =	vst v63  }
0x9f: {  	_ = 	snop  }
0xa0: {  	[spmem:s16] =	stream.indirect.scatter.add.f32 [tilespmem:s14], [sflag:$0x7], $0x80, s3, s3, $0xb8;
	[tilespmem:$0x1C200] =	vst v63  }
0xa1: {  	_ =	swait.ge [sflag:s0], $0x4000  }
0xa2: {  	[sflag:s0] =	ssyncset.done $0x0  }
0xa3: {  	[sflag:s0] =	ssyncadd.s32 $0xFFFFC000  }
0xa4: {  	[tilespmem:s2], [sflag:$0x1] =	stream.linear.gather [hbm4b:s7+s2], $0x80, $0x38;
	[tilespmem:$0x1C200] =	vst v63  }
0xa5: {  	_ = 	snop  }
0xa6: {  	[tilespmem:s3], [sflag:$0x2] =	stream.linear.gather [hbm4b:s8+s2], $0x80, $0x38;
	[tilespmem:$0x1C200] =	vst v63  }
0xa7: {  	_ =	swait.ge [sflag:s18], $0x4000  }
0xa8: {  	[sflag:s18] =	ssyncset.done $0x0  }
0xa9: {  	[sflag:s18] =	ssyncadd.s32 $0xFFFFC000  }
0xaa: {  	_ =	swait.ge [sflag:s4], $0x80  }
0xab: {  	[sflag:s4] =	ssyncset.done $0x0  }
0xac: {  	[sflag:s4] =	ssyncadd.s32 $0xFFFFFF80  }
0xad: {  	_ =	swait.ge [sflag:s5], $0x80  }
0xae: {  	[sflag:s5] =	ssyncset.done $0x0  }
0xaf: {  	[sflag:s5] =	ssyncadd.s32 $0xFFFFFF80  }
0xb0: {  	[tilespmem:s14], [sflag:$0x3] =	stream.indirect.gather [hbm4b:s1+s3], $0x80, s2, s3, $0xb8;
	[tilespmem:$0x1C200] =	vst v63  }
0xb1: {  	_ = 	snop  }
0xb2: {  	[spmem:s16] =	stream.indirect.scatter.add.f32 [tilespmem:s13], [sflag:$0x7], $0x80, s9, s3, $0xb8;
	[tilespmem:$0x1C200] =	vst v63  }
0xb3: {  	_ =	swait.ge [sflag:s0], $0x4000  }
0xb4: {  	[sflag:s0] =	ssyncset.done $0x0  }
0xb5: {  	[sflag:s0] =	ssyncadd.s32 $0xFFFFC000  }
0xb6: {  	[tilespmem:s6], [sflag:$0x4] =	stream.linear.gather [hbm4b:s7+s2], $0x80, $0x38;
	[tilespmem:$0x1C200] =	vst v63  }
0xb7: {  	_ = 	snop  }
0xb8: {  	[tilespmem:s9], [sflag:$0x5] =	stream.linear.gather [hbm4b:s8+s2], $0x80, $0x38;
	[tilespmem:$0x1C200] =	vst v63  }
0xb9: {  	_ =	swait.ge [sflag:s10], $0x4000  }
0xba: {  	[sflag:s10] =	ssyncset.done $0x0  }
0xbb: {  	[sflag:s10] =	ssyncadd.s32 $0xFFFFC000  }
0xbc: {  	[spmem:s16] =	stream.indirect.scatter.add.f32 [tilespmem:s14], [sflag:$0x7], $0x80, s3, s3, $0xb8;
	[tilespmem:$0x1C200] =	vst v63  }
0xbd: {  	_ =	swait.ge [sflag:s0], $0x4000  }
0xbe: {  	[sflag:s0] =	ssyncset.done $0x0  }
0xbf: {  	[sflag:s0] =	ssyncadd.s32 $0xFFFFC000  }
0xc0: {  	_ =	swait.ge [sflag:s11], $0x80  }
0xc1: {  	[sflag:s11] =	ssyncset.done $0x0  }
0xc2: {  	[sflag:s11] =	ssyncadd.s32 $0xFFFFFF80  }
0xc3: {  	_ =	swait.ge [sflag:s12], $0x80  }
0xc4: {  	[sflag:s12] =	ssyncset.done $0x0  }
0xc5: {  	[sflag:s12] =	ssyncadd.s32 $0xFFFFFF80  }
0xc6: {  	[bflag:$0x0] =	sbarrier.arrive $0xFFFF  }
0xc7: {  	[tilespmem:s14], [sflag:$0x7] =	stream.linear.gather [spmem:s19], $0x4000, $0x38;
	[tilespmem:$0x1C200] =	vst v63  }
0xc8: {  	_ =	swait.ge [sflag:s0], $0x4000  }
0xc9: {  	[sflag:s0] =	ssyncset.done $0x0  }
0xca: {  	s21 =	rddreg [dreg:$0x8];
	[sflag:s0] =	ssyncadd.s32 $0xFFFFC000  }
0xcb: {  	[hbm4b:s21+s2] =	stream.linear.scatter [tilespmem:s14], [sflag:$0x7], $0x4000, $0x38;
	[tilespmem:$0x1C200] =	vst v63  }
0xcc: {  	_ =	swait.ge [sflag:s0], $0x4000  }
0xcd: {  	[sflag:s0] =	ssyncset.done $0x0  }
0xce: {  	s22 =	rddreg [dreg:$0xf];
	[sflag:s0] =	ssyncadd.s32 $0xFFFFC000  }
0xcf: {  	[tilespmem:s14], [sflag:$0x7] =	stream.linear.gather [spmem:s22], $0x4000, $0x38;
	[tilespmem:$0x1C200] =	vst v63  }
0xd0: {  	_ =	swait.ge [sflag:s0], $0x4000  }
0xd1: {  	[sflag:s0] =	ssyncset.done $0x0  }
0xd2: {  	s23 =	rddreg [dreg:$0x9];
	[sflag:s0] =	ssyncadd.s32 $0xFFFFC000  }
0xd3: {  	[hbm4b:s23+s2] =	stream.linear.scatter [tilespmem:s14], [sflag:$0x7], $0x4000, $0x38;
	[tilespmem:$0x1C200] =	vst v63  }
0xd4: {  	_ =	swait.ge [sflag:s0], $0x4000  }
0xd5: {  	[sflag:s0] =	ssyncset.done $0x0  }
0xd6: {  	s22 =	rddreg [dreg:$0x10];
	[sflag:s0] =	ssyncadd.s32 $0xFFFFC000  }
0xd7: {  	[tilespmem:s14], [sflag:$0x7] =	stream.linear.gather [spmem:s22], $0x4000, $0x38;
	[tilespmem:$0x1C200] =	vst v63  }
0xd8: {  	_ =	swait.ge [sflag:s0], $0x4000  }
0xd9: {  	[sflag:s0] =	ssyncset.done $0x0  }
0xda: {  	s23 =	rddreg [dreg:$0xa];
	[sflag:s0] =	ssyncadd.s32 $0xFFFFC000  }
0xdb: {  	[hbm4b:s23+s2] =	stream.linear.scatter [tilespmem:s14], [sflag:$0x7], $0x4000, $0x38;
	[tilespmem:$0x1C200] =	vst v63  }
0xdc: {  	_ =	swait.ge [sflag:s0], $0x4000  }
0xdd: {  	[sflag:s0] =	ssyncset.done $0x0  }
0xde: {  	s22 =	rddreg [dreg:$0x11];
	[sflag:s0] =	ssyncadd.s32 $0xFFFFC000  }
0xdf: {  	[tilespmem:s14], [sflag:$0x7] =	stream.linear.gather [spmem:s22], $0x4000, $0x38;
	[tilespmem:$0x1C200] =	vst v63  }
0xe0: {  	_ =	swait.ge [sflag:s0], $0x4000  }
0xe1: {  	[sflag:s0] =	ssyncset.done $0x0  }
0xe2: {  	s23 =	rddreg [dreg:$0xb];
	[sflag:s0] =	ssyncadd.s32 $0xFFFFC000  }
0xe3: {  	[hbm4b:s23+s2] =	stream.linear.scatter [tilespmem:s14], [sflag:$0x7], $0x4000, $0x38;
	[tilespmem:$0x1C200] =	vst v63  }
0xe4: {  	_ =	swait.ge [sflag:s0], $0x4000  }
0xe5: {  	[sflag:s0] =	ssyncset.done $0x0  }
0xe6: {  	[sflag:s0] =	ssyncadd.s32 $0xFFFFC000  }
0xe7: {  	[tilespmem:s14], [sflag:$0x7] =	stream.linear.gather [spmem:s24], $0x4000, $0x38;
	[tilespmem:$0x1C200] =	vst v63  }
0xe8: {  	_ =	swait.ge [sflag:s0], $0x4000  }
0xe9: {  	[sflag:s0] =	ssyncset.done $0x0  }
0xea: {  	s22 =	rddreg [dreg:$0xc];
	[sflag:s0] =	ssyncadd.s32 $0xFFFFC000  }
0xeb: {  	[hbm4b:s22+s2] =	stream.linear.scatter [tilespmem:s14], [sflag:$0x7], $0x4000, $0x38;
	[tilespmem:$0x1C200] =	vst v63  }
0xec: {  	_ =	swait.ge [sflag:s0], $0x4000  }
0xed: {  	s20 =	sadd.s32 $0x1, s20;
	s23 =	rddreg [dreg:$0xe]  }
0xee: {  	p0 =	sne.s32 s20, s23  }
.Ltmp1:
0xef: {  	_ = 	snop;
	(pc) =	sbr.rel @p0 .LBB2_1-.Ltmp1, $3  }
0xf0: {  	_ =	sdelay $0x1  }
0xf1: {  	[sflag:s0] =	ssyncset.done $0x0  }
0xf2: {  	[sflag:s0] =	ssyncadd.s32 $0xFFFFC000  }
0xf3: {  	_ =	sfence.sel $0x180000  }
0xf4: {  	[bflag:$0x0] =	sbarrier.arrive $0xFFFF  }
0xf5: {  	_ =	strace $0x90000047  }
0xf6: {  	s0 =	stileid.u32;
	[bflag:$0x2] =	sbarrier.arrive $0xFFFF  }
0xf7: {  	p0 =	sne.s32 s0, $0x0;
	s0 =	rddreg [dreg:$0x3]  }
0xf8: {  	s0 =	sadd.s32 @!p0 $0x100000, s0  }
0xf9: {  	[sflag:s0] =	ssyncadd.tile.s32 @!p0 $0x1;
	_ =	shalt  }
.Lfunc_end2:
_tile_overlayer_lowered:
.L_overlay_start_2:
0xfa: {  	(tag) =	ssettag $0x2  }
0xfb: {  	s0 =	rddreg [dreg:$0x0];
	s2 =	stileid.u32  }
0xfc: {  	s1 =	rddreg [dreg:$0x1];
	p0 =	sne.s32 s2, $0x0  }
0xfd: {  	s3 =	rddreg [dreg:$0x2];
	[bflag:$0x3] =	sbarrier.arrive $0xFFFF;
	s2 =	simm.s32 @!p0 $0x1C07  }
0xfe: {  	[timem:s3], [sflag:s2] =	dma.local @!p0 [hbm:s0], s1  }
0xff: {  	s0 =	simm.s32 @!p0 $0x7  }
0x100: {  	_ =	swait.ge @!p0 [sflag:s0], s1  }
0x101: {  	s1 =	ssub.s32 @!p0 $0x0, s1;
	[sflag:s0] =	ssyncset.done @!p0 $0x0  }
0x102: {  	[sflag:s0] =	ssyncadd.s32 @!p0 s1  }
0x103: {  	[bflag:$0x3] =	sbarrier.arrive $0xFFFF  }
0x104: {  	_ =	shalt  }

// kernel: kernel.14.cloned.1.call-start
scs
__scs_entry_jumppad:
0x0: {  	(pc) =	sbr.rel $0x88, $3  }
0x1: {  	(tag) =	ssettag $0x0;
	lr =	simm.s32 $0x1  }
0x2: {  	[smem:$0x3F9B] =	sst lr;
	_ =	strace $0xD0000000  }
0x3: {  	_ = 	snop  }
0x4: {  	_ = 	snop  }
0x5: {  	_ = 	snop  }
0x6: {  	_ = 	snop  }
0x7: {  	_ = 	snop  }
__scs_overlays_trampoline_lowered:
0x8: {  	[smem:$0x3FAA] =	sst s0  }
0x9: {  	[smem:$0x3FAB] =	sst s1  }
0xa: {  	[smem:$0x3FAC] =	sst s2  }
0xb: {  	[smem:$0x3FAD] =	sst s3  }
0xc: {  	[smem:$0x3FAE] =	sst s4  }
0xd: {  	[smem:$0x3FAF] =	sst s5  }
0xe: {  	[smem:$0x3FB0] =	sst s6  }
0xf: {  	[smem:$0x3FB1] =	sst s7  }
0x10: {  	[smem:$0x3FB2] =	sst s8  }
0x11: {  	[smem:$0x3FB3] =	sst s9;
	s0 =	simm.s32 @!p0 $0x0  }
0x12: {  	s1 =	sld [smem:$0x3F99];
	s0 =	simm.s32 @p0 $0x1  }
0x13: {  	[smem:$0x3FB4] =	sst s0;
	s0 =	simm.s32 @!p1 $0x0  }
0x14: {  	s2 =	sld [smem:$0x3F98];
	s0 =	simm.s32 @p1 $0x1  }
0x15: {  	[smem:$0x3FB5] =	sst s0;
	s0 =	simm.s32 @!p2 $0x0  }
0x16: {  	s3 =	sld [smem:$0x3FDB];
	s0 =	simm.s32 @p2 $0x1  }
0x17: {  	s4 =	simm.s32 $0x1BF5;
	[smem:$0x3FB7] =	sst s0  }
0x18: {  	s0 =	sld [smem:$0x3F9A];
	_ =	swait.ge [sflag:s4], $0x0  }
0x19: {  	s7 =	sld [smem:$0x3F9B]  }
0x1a: {  	s8 =	sadd.s32 $0xFFFFE003, lr  }
0x1b: {  	s9 =	sadd.s32 $0xFFFFFEF7, lr;
	s5 =	simm.s32 $0xFFFFFFFF;
	p2 =	slt.u32 s8, $0xFFFFF086  }
0x1c: {  	p1 =	slt.u32 s9, $0xF7A;
	s5 =	simm.s32 @!p2 $0x0  }
0x1d: {  	s5 =	simm.s32 @p1 $0x1;
	p0 =	seq.s32 s7, s2  }
0x1e: {  	s7 =	smul.u32 @!p0 $0xF7A, s2;
	p2 =	seq.s32 @!p0 s5, $0x0  }
0x1f: {  	s9 =	smul.u32 $0xF7A, s1;
	s8 =	simm.s32 @!p0 $0x1BF5;
	p2 =	por !p2, p0  }
0x20: {  	[sflag:s8] =	ssyncset.s32 @!p0 $0xFFFFF086;
	s6 =	sadd.s32 @!p0 s3, s7;
	s7 =	simm.s32 @!p0 $0x108  }
0x21: {  	s3 =	sadd.s32 s3, s9;
	s6 =	sadd.s32 @!p0 $0x88, s6;
	s7 =	simm.s32 @p2 $0x1082  }
0x22: {  	[simem:s7], [sflag:s8] =	dma.local @!p0 [hbm:s6], $0xF7A  }
0x23: {  	s9 =	sor.u32 $0xD0000000, s2;
	s6 =	simm.s32 $0x108;
	_ =	swait.ge @!p0 [sflag:s8], $0x0  }
0x24: {  	s3 =	sadd.s32 $0x88, s3;
	s6 =	simm.s32 @!p1 $0x1082;
	[sflag:s4] =	ssyncset.s32 $0xFFFFF086  }
0x25: {  	[simem:s6], [sflag:s4] =	dma.local [hbm:s3], $0xF7A  }
0x26: {  	[smem:$0x3F9B] =	sst s1;
	(tag) =	ssettag s2;
	_ =	strace s9  }
0x27: {  	s1 =	sld [smem:$0x3FAB]  }
0x28: {  	s2 =	sld [smem:$0x3FAC]  }
0x29: {  	s4 =	sld [smem:$0x3FAE]  }
0x2a: {  	p0 =	seq.s32 s5, $0x0;
	s5 =	sld [smem:$0x3FAF]  }
0x2b: {  	s6 =	sld [smem:$0x3FB0]  }
0x2c: {  	s7 =	sld [smem:$0x3FB1]  }
0x2d: {  	s3 =	simm.s32 $0x108;
	s8 =	sld [smem:$0x3FB2]  }
0x2e: {  	s3 =	simm.s32 @!p0 $0x1082;
	s9 =	sld [smem:$0x3FB3]  }
0x2f: {  	lr =	sadd.s32 s0, s3;
	s0 =	sld [smem:$0x3FAA]  }
0x30: {  	s3 =	sld [smem:$0x3FAD]  }
0x31: {  	[smem:$0x3FB6] =	sst s10  }
0x32: {  	s10 =	sld [smem:$0x3FB4];
	_ =	sdelay $0x3  }
0x33: {  	p0 =	seq.s32 s10, $0x1;
	s10 =	sld [smem:$0x3FB6];
	_ =	sdelay $0x3  }
0x34: {  	[smem:$0x3FB6] =	sst s10  }
0x35: {  	s10 =	sld [smem:$0x3FB5];
	_ =	sdelay $0x3  }
0x36: {  	p1 =	seq.s32 s10, $0x1;
	s10 =	sld [smem:$0x3FB6];
	_ =	sdelay $0x3  }
0x37: {  	[smem:$0x3FB6] =	sst s10  }
0x38: {  	s10 =	sld [smem:$0x3FB7]  }
0x39: {  	_ = 	snop;
	(pc) =	sbr.ind lr, $3  }
0x3a: {  	_ = 	snop  }
0x3b: {  	_ = 	snop  }
0x3c: {  	p2 =	seq.s32 s10, $0x1;
	s10 =	sld [smem:$0x3FB6]  }
0x3d: {  	_ =	shalt  }
0x3e: {  	_ =	shalt  }
0x3f: {  	_ =	shalt  }
0x40: {  	_ =	shalt  }
0x41: {  	_ =	shalt  }
0x42: {  	_ =	shalt  }
0x43: {  	_ =	shalt  }
0x44: {  	_ =	shalt  }
0x45: {  	_ =	shalt  }
0x46: {  	_ =	shalt  }
0x47: {  	_ =	shalt  }
0x48: {  	_ =	shalt  }
0x49: {  	_ =	shalt  }
0x4a: {  	_ =	shalt  }
0x4b: {  	_ =	shalt  }
0x4c: {  	_ =	shalt  }
0x4d: {  	_ =	shalt  }
0x4e: {  	_ =	shalt  }
0x4f: {  	_ =	shalt  }
0x50: {  	_ =	shalt  }
0x51: {  	_ =	shalt  }
0x52: {  	_ =	shalt  }
0x53: {  	_ =	shalt  }
0x54: {  	_ =	shalt  }
0x55: {  	_ =	shalt  }
0x56: {  	_ =	shalt  }
0x57: {  	_ =	shalt  }
0x58: {  	_ =	shalt  }
0x59: {  	_ =	shalt  }
0x5a: {  	_ =	shalt  }
0x5b: {  	_ =	shalt  }
0x5c: {  	_ =	shalt  }
0x5d: {  	_ =	shalt  }
0x5e: {  	_ =	shalt  }
0x5f: {  	_ =	shalt  }
0x60: {  	_ =	shalt  }
0x61: {  	_ =	shalt  }
0x62: {  	_ =	shalt  }
0x63: {  	_ =	shalt  }
0x64: {  	_ =	shalt  }
0x65: {  	_ =	shalt  }
0x66: {  	_ =	shalt  }
0x67: {  	_ =	shalt  }
0x68: {  	_ =	shalt  }
0x69: {  	_ =	shalt  }
0x6a: {  	_ =	shalt  }
0x6b: {  	_ =	shalt  }
0x6c: {  	_ =	shalt  }
0x6d: {  	_ =	shalt  }
0x6e: {  	_ =	shalt  }
0x6f: {  	_ =	shalt  }
0x70: {  	_ =	shalt  }
0x71: {  	_ =	shalt  }
0x72: {  	_ =	shalt  }
0x73: {  	_ =	shalt  }
0x74: {  	_ =	shalt  }
0x75: {  	_ =	shalt  }
0x76: {  	_ =	shalt  }
0x77: {  	_ =	shalt  }
0x78: {  	_ =	shalt  }
0x79: {  	_ =	shalt  }
0x7a: {  	_ =	shalt  }
0x7b: {  	_ =	shalt  }
0x7c: {  	_ =	shalt  }
0x7d: {  	_ =	shalt  }
0x7e: {  	_ =	shalt  }
0x7f: {  	_ =	shalt  }
0x80: {  	_ =	shalt  }
0x81: {  	_ =	shalt  }
0x82: {  	_ =	shalt  }
0x83: {  	_ =	shalt  }
0x84: {  	_ =	shalt  }
0x85: {  	_ =	shalt  }
0x86: {  	_ =	shalt  }
0x87: {  	_ =	shalt  }
.Lfunc_end0:
.L_simem_size_0:
called_computation.2_lowered:
.L_overlay_start_0:
0x88: {  	s2 =	sld [smem:$0x3FD9]  }
0x89: {  	s3 =	sld [smem:$0x3FFE];
	_ =	sdelay $0x1  }
0x8a: {  	s1 =	srdreg.scid  }
0x8b: {  	s0 =	sand.u32 $0x1, s1  }
0x8c: {  	s16 =	sshll.u32 s0, $0xA;
	s2 =	sadd.s32 s3, s2  }
0x8d: {  	s2 =	sadd.s32 s2, s16  }
0x8e: {  	[smem:$0x3FC2] =	sst s2  }
0x8f: {  	_ = 	snop  }
0x90: {  	(tm) =	ssettm $0x1  }
0x91: {  	s17 =	sld [smem:$0x3FFB];
	_ =	sdelay $0x3  }
0x92: {  	_ =	strace s17  }
0x93: {  	s2 =	sld [smem:$0x3FFC];
	_ =	sdelay $0x3  }
0x94: {  	_ =	strace s2  }
0x95: {  	s2 =	sld [smem:$0x3FFD];
	_ =	sdelay $0x3  }
0x96: {  	_ =	strace s2  }
0x97: {  	_ =	strace $0x8FFFFFFF  }
0x98: {  	s18 =	sld [smem:$0x3FDB];
	_ =	sdelay $0x1  }
0x99: {  	s19 =	simm.s32 $_scs_section_size  }
0x9a: {  	s4 =	simm.s32 $_size__tile_overlayer_lowered;
	s5 =	simm.s32 $_tile_overlayer_lowered  }
0x9b: {  	s22 =	simm.s32 $0x1BFF;
	s21 =	sshll.u32 s5, $0x1;
	s2 =	sadd.s32 s19, s18  }
0x9c: {  	s6 =	simm.s32 $0x0;
	s20 =	sshll.u32 s4, $0x1;
	s4 =	sadd.s32 s21, s2  }
0x9d: {  	[timem:s6], [sflag:s22] =	dma.local [hbm:s4], s20  }
0x9e: {  	_ =	swait.ge [sflag:s22], s20  }
0x9f: {  	s3 =	ssub.s32 $0x0, s20;
	[sflag:s22] =	ssyncset.done $0x0  }
0xa0: {  	[sflag:s22] =	ssyncadd.s32 s3;
	_ =	sdelay $0x1  }
0xa1: {  	s23 =	simm.s32 $0x1B8B  }
0xa2: {  	_ =	swait.ge [sflag:s23], $0x1  }
0xa3: {  	[sflag:s23] =	ssyncset.done $0x0  }
0xa4: {  	s25 =	simm.s32 $0x1B8E;
	s24 =	sld [smem:$0x3FFE];
	[sflag:s23] =	ssyncadd.s32 $0xFFFFFFFF  }
0xa5: {  	s26 =	simm.s32 $execute0_lowered;
	[smem:$0x3FD2] =	sst s25  }
0xa6: {  	s4 =	sshll.u32 s26, $0x1;
	_ =	strace $0x8000004C;
	[dreg:$0x1] =	wrdreg $0xFFFFFFFF  }
0xa7: {  	s28 =	simm.s32 $_size_execute0_lowered;
	s2 =	sadd.s32 s2, s4;
	[dreg:$0x0] =	wrdreg $0x0  }
0xa8: {  	s4 =	sshll.u32 s28, $0x1;
	[dreg:$0x2] =	wrdreg s2  }
0xa9: {  	[dreg:$0x3] =	wrdreg s4  }
0xaa: {  	[dreg:$0x4] =	wrdreg $0xC0  }
0xab: {  	_ =	task [dreg:s6], $0x5FFFF  }
0xac: {  	[dreg:$0x1] =	wrdreg $0xFFFFFFFF  }
0xad: {  	[dreg:$0x0] =	wrdreg $0x60  }
0xae: {  	[dreg:$0x2] =	wrdreg s24  }
0xaf: {  	[dreg:$0x3] =	wrdreg $0x82000  }
0xb0: {  	[dreg:$0x4] =	wrdreg $0x9  }
0xb1: {  	_ =	task.clear_ibuf [dreg:s6], $0x5FFFF;
	_ =	strace $0x9000004C  }
0xb2: {  	s29 =	simm.s32 $0x9;
	_ =	strace $0x8000004E  }
0xb3: {  	_ =	swait.ge [sflag:s29], $0x1  }
0xb4: {  	[sflag:s29] =	ssyncadd.s32 $0xFFFFFFFF  }
0xb5: {  	_ =	strace $0x9000004E  }
0xb6: {  	_ =	sfence  }
0xb7: {  	s30 =	sld [smem:$0x0];
	_ =	sdelay $0x2  }
0xb8: {  	s31 =	sshll.u32 s1, $0xD;
	s1 =	sshrl.u32 s1, $0x2  }
0xb9: {  	s3 =	sand.u32 $0x4000, s31;
	s1 =	sadd.s32 s1, s30  }
0xba: {  	s0 =	sor.u32 s3, s0;
	s1 =	sshll.u32 s1, $0x11  }
0xbb: {  	s0 =	sor.u32 s1, s0  }
0xbc: {  	s0 =	sadd.s32 $0x8F2B, s0  }
0xbd: {  	[sflag:s0] =	ssyncadd.remote.s32 $0x1  }
0xbe: {  	_ =	sfence.sel $0xFFFF  }
0xbf: {  	[dreg:$0x0] =	wrdreg $0xFFFFFFFF;
	(pc) =	sbr.abs _section_cstart, $3  }
0xc0: {  	[dreg:$0x1] =	wrdreg $0xFFFFFFFF  }
0xc1: {  	_ =	task.clear_ibuf [dreg:s6], $0x2FFFF;
	_ =	strace $0x9FFFFFFF  }
0xc2: {  	(tm) =	ssettm $0x7FFFFFFF  }
0xc3: {  	_ =	shalt  }
tec
execute0_lowered:
.L_overlay_start_1:
0x0: {  	(tag) =	ssettag $0x1  }
0x1: {  	s0 =	rddreg [dreg:$0x0];
	s15 =	stileid.u32  }
0x2: {  	s1 =	rddreg [dreg:$0x1];
	s11 =	smul.u32 $0x50000, s15  }
0x3: {  	s3 =	srdreg.scid;
	s2 =	simm.s32 $0x0;
	s13 =	smul.u32 $0x14000, s15  }
0x4: {  	s3 =	sand.u32 $0x1, s3;
	s4 =	sshll.u32 s15, $0x1;
	s15 =	smul.u32 $0x9E, s15  }
0x5: {  	[smem:$0x7FF] =	sst s2;
	s5 =	sadd.s32 $0xCC00, s0;
	s12 =	smul.u32 $0x140000, s3  }
0x6: {  	s4 =	sor.u32 s3, s4;
	s6 =	ssub.s32 $0x2, s3;
	s3 =	smul.u32 $0x4F, s3  }
0x7: {  	s9 =	sadd.s32 $0x2E00, s0;
	s7 =	smul.u32 $0x4F0, s4;
	s8 =	sshrl.u32 s6, $0x1  }
0x8: {  	s10 =	sadd.s32 $0x65600, s0;
	s4 =	smul.u32 $0x2780, s4;
	s6 =	ssub.s32 s6, s8  }
0x9: {  	s14 =	sadd.s32 s12, s13;
	s3 =	sadd.s32 s3, s15;
	s17 =	sadd.s32 s9, s7  }
0xa: {  	s4 =	sshrl.u32 s4, $0x3;
	s18 =	sadd.s32 s5, s7;
	s20 =	sadd.s32 $0x4E0, s7  }
0xb: {  	s21 =	sshrl.u32 s14, $0x3;
	s14 =	sadd.s32 $0x8000, s13;
	[dreg:$0x3] =	wrdreg s17  }
0xc: {  	s3 =	sshll.u32 s3, $0x4;
	[dreg:$0x4] =	wrdreg s18;
	s4 =	sadd.s32 $0x10, s4  }
0xd: {  	s7 =	sadd.s32 s9, s20;
	s18 =	sadd.s32 $0x4000, s13;
	s8 =	sadd.s32 s5, s20  }
0xe: {  	s24 =	sadd.s32 s12, s14;
	s20 =	sadd.s32 $0xC000, s13;
	s13 =	sadd.s32 $0x10000, s13  }
0xf: {  	s17 =	sadd.s32 $0x16A00, s0;
	s0 =	sadd.s32 $0x3DC00, s0;
	s19 =	sadd.s32 s9, s4  }
0x10: {  	s4 =	sadd.s32 s5, s4;
	s22 =	sadd.s32 s12, s18;
	[dreg:$0x5] =	wrdreg s19  }
0x11: {  	s25 =	sadd.s32 s12, s20;
	s12 =	sadd.s32 s12, s13;
	[dreg:$0x6] =	wrdreg s4  }
0x12: {  	s4 =	sadd.s32 s10, s21;
	s23 =	sshrl.u32 s22, $0x3;
	s26 =	sshrl.u32 s12, $0x3  }
0x13: {  	s12 =	sadd.s32 s3, s9;
	s21 =	sadd.s32 $0x30, s3;
	s3 =	sadd.s32 s3, s5  }
0x14: {  	s22 =	sshrl.u32 s11, $0x2;
	s11 =	simm.s32 $0x4;
	[dreg:$0x7] =	wrdreg s4  }
0x15: {  	s4 =	sadd.s32 s10, s23;
	s15 =	sadd.s32 s21, s9;
	s16 =	sadd.s32 s21, s5  }
0x16: {  	s19 =	sadd.s32 s22, s1;
	[dreg:$0x8] =	wrdreg s4;
	s4 =	sshrl.u32 s24, $0x3  }
0x17: {  	s23 =	smax.u32 s6, $0x1;
	s5 =	simm.s32 $0x2;
	s4 =	sadd.s32 s10, s4  }
0x18: {  	s6 =	simm.s32 $0x100;
	[dreg:$0x9] =	wrdreg s4;
	s4 =	sshrl.u32 s25, $0x3  }
0x19: {  	s9 =	simm.s32 $0x180;
	s24 =	sadd.s32 s18, s1;
	s4 =	sadd.s32 s10, s4  }
0x1a: {  	s28 =	sadd.s32 $0x4000, s19;
	[dreg:$0xa] =	wrdreg s4;
	s4 =	sadd.s32 s10, s26  }
0x1b: {  	s29 =	sadd.s32 $0x8000, s19;
	s30 =	sadd.s32 $0xC000, s19;
	[dreg:$0xb] =	wrdreg s4  }
0x1c: {  	s31 =	sadd.s32 $0x10000, s19;
	_ =	strace $0x8000004D;
	[dreg:$0xc] =	wrdreg s0  }
0x1d: {  	s18 =	simm.s32 $0x6;
	s25 =	sadd.s32 s14, s1;
	[dreg:$0xd] =	wrdreg s23  }
0x1e: {  	s14 =	simm.s32 $0x4200;
	s26 =	sadd.s32 s20, s1;
	[dreg:$0xe] =	wrdreg s24  }
0x1f: {  	s10 =	simm.s32 $0x3;
	s20 =	simm.s32 $0x0;
	[dreg:$0xf] =	wrdreg s25  }
0x20: {  	s4 =	simm.s32 $0x1;
	[dreg:$0x10] =	wrdreg s26;
	s24 =	sadd.s32 s13, s1  }
0x21: {  	s25 =	sadd.s32 $0x20, s12;
	s26 =	sadd.s32 $0x20, s3;
	s13 =	simm.s32 $0x200  }
0x22: {  	s0 =	simm.s32 $0x7;
	s3 =	simm.s32 $0x80;
	s12 =	simm.s32 $0x5  }
.LBB2_1:
0x23: {  	s21 =	rddreg [dreg:$0xc]  }
0x24: {  	[tilespmem:s13], [sflag:$0x7] =	stream.linear.gather [hbm4b:s21+s2], $0x4000, $0x38;
	[tilespmem:$0x1C200] =	vst v63  }
0x25: {  	_ =	swait.ge [sflag:s0], $0x4000  }
0x26: {  	[sflag:s0] =	ssyncset.done $0x0  }
0x27: {  	[sflag:s0] =	ssyncadd.s32 $0xFFFFC000  }
0x28: {  	[spmem:s19] =	stream.linear.scatter [tilespmem:s13], [sflag:$0x7], $0x4000, $0x38;
	[tilespmem:$0x1C200] =	vst v63  }
0x29: {  	_ =	swait.ge [sflag:s0], $0x4000  }
0x2a: {  	[sflag:s0] =	ssyncset.done $0x0  }
0x2b: {  	[sflag:s0] =	ssyncadd.s32 $0xFFFFC000  }
0x2c: {  	[spmem:s28] =	stream.linear.scatter [tilespmem:s13], [sflag:$0x7], $0x4000, $0x38;
	[tilespmem:$0x1C200] =	vst v63  }
0x2d: {  	_ =	swait.ge [sflag:s0], $0x4000  }
0x2e: {  	[sflag:s0] =	ssyncset.done $0x0  }
0x2f: {  	[sflag:s0] =	ssyncadd.s32 $0xFFFFC000  }
0x30: {  	[spmem:s29] =	stream.linear.scatter [tilespmem:s13], [sflag:$0x7], $0x4000, $0x38;
	[tilespmem:$0x1C200] =	vst v63  }
0x31: {  	_ =	swait.ge [sflag:s0], $0x4000  }
0x32: {  	[sflag:s0] =	ssyncset.done $0x0  }
0x33: {  	[sflag:s0] =	ssyncadd.s32 $0xFFFFC000  }
0x34: {  	[spmem:s30] =	stream.linear.scatter [tilespmem:s13], [sflag:$0x7], $0x4000, $0x38;
	[tilespmem:$0x1C200] =	vst v63  }
0x35: {  	_ =	swait.ge [sflag:s0], $0x4000  }
0x36: {  	[sflag:s0] =	ssyncset.done $0x0  }
0x37: {  	[sflag:s0] =	ssyncadd.s32 $0xFFFFC000  }
0x38: {  	[spmem:s31] =	stream.linear.scatter [tilespmem:s13], [sflag:$0x7], $0x4000, $0x38;
	[tilespmem:$0x1C200] =	vst v63  }
0x39: {  	_ =	swait.ge [sflag:s0], $0x4000  }
0x3a: {  	[sflag:s0] =	ssyncset.done $0x0  }
0x3b: {  	[sflag:s0] =	ssyncadd.s32 $0xFFFFC000  }
0x3c: {  	[bflag:$0x0] =	sbarrier.arrive $0xFFFF  }
0x3d: {  	s23 =	rddreg [dreg:$0x3]  }
0x3e: {  	[tilespmem:s2], [sflag:$0x1] =	stream.linear.gather [hbm4b:s23+s2], $0x80, $0x38;
	[tilespmem:$0x1C200] =	vst v63  }
0x3f: {  	s22 =	rddreg [dreg:$0x4]  }
0x40: {  	[tilespmem:s3], [sflag:$0x2] =	stream.linear.gather [hbm4b:s22+s2], $0x80, $0x38;
	[tilespmem:$0x1C200] =	vst v63  }
0x41: {  	_ =	swait.ge [sflag:s4], $0x80  }
0x42: {  	[sflag:s4] =	ssyncset.done $0x0  }
0x43: {  	[sflag:s4] =	ssyncadd.s32 $0xFFFFFF80  }
0x44: {  	_ =	swait.ge [sflag:s5], $0x80  }
0x45: {  	[sflag:s5] =	ssyncset.done $0x0  }
0x46: {  	s23 =	rddreg [dreg:$0x5];
	[sflag:s5] =	ssyncadd.s32 $0xFFFFFF80  }
0x47: {  	[tilespmem:s6], [sflag:$0x4] =	stream.linear.gather [hbm4b:s23+s2], $0x80, $0x38;
	[tilespmem:$0x1C200] =	vst v63  }
0x48: {  	s22 =	rddreg [dreg:$0x6]  }
0x49: {  	[tilespmem:s9], [sflag:$0x5] =	stream.linear.gather [hbm4b:s22+s2], $0x80, $0x38;
	[tilespmem:$0x1C200] =	vst v63  }
0x4a: {  	_ = 	snop  }
0x4b: {  	[tilespmem:s13], [sflag:$0x3] =	stream.indirect.gather [hbm4b:s17+s3], $0x80, s2, s3, $0xb8;
	[tilespmem:$0x1C200] =	vst v63  }
0x4c: {  	_ =	swait.ge [sflag:s10], $0x4000  }
0x4d: {  	[sflag:s10] =	ssyncset.done $0x0  }
0x4e: {  	[sflag:s10] =	ssyncadd.s32 $0xFFFFC000  }
0x4f: {  	_ =	swait.ge [sflag:s11], $0x80  }
0x50: {  	[sflag:s11] =	ssyncset.done $0x0  }
0x51: {  	[sflag:s11] =	ssyncadd.s32 $0xFFFFFF80  }
0x52: {  	_ =	swait.ge [sflag:s12], $0x80  }
0x53: {  	[sflag:s12] =	ssyncset.done $0x0  }
0x54: {  	[sflag:s12] =	ssyncadd.s32 $0xFFFFFF80  }
0x55: {  	[tilespmem:s14], [sflag:$0x6] =	stream.indirect.gather [hbm4b:s17+s3], $0x80, s6, s3, $0xb8;
	[tilespmem:$0x1C200] =	vst v63  }
0x56: {  	_ = 	snop  }
0x57: {  	[spmem:s1] =	stream.indirect.scatter.add.f32 [tilespmem:s13], [sflag:$0x7], $0x80, s3, s3, $0xb8;
	[tilespmem:$0x1C200] =	vst v63  }
0x58: {  	_ =	swait.ge [sflag:s0], $0x4000  }
0x59: {  	[sflag:s0] =	ssyncset.done $0x0  }
0x5a: {  	s23 =	sadd.s32 $0x0, s25;
	[sflag:s0] =	ssyncadd.s32 $0xFFFFC000  }
0x5b: {  	[tilespmem:s2], [sflag:$0x1] =	stream.linear.gather [hbm4b:s23+s2], $0x80, $0x38;
	[tilespmem:$0x1C200] =	vst v63  }
0x5c: {  	s22 =	sadd.s32 $0x0, s26  }
0x5d: {  	[tilespmem:s3], [sflag:$0x2] =	stream.linear.gather [hbm4b:s22+s2], $0x80, $0x38;
	[tilespmem:$0x1C200] =	vst v63  }
0x5e: {  	_ =	swait.ge [sflag:s18], $0x4000  }
0x5f: {  	[sflag:s18] =	ssyncset.done $0x0  }
0x60: {  	[sflag:s18] =	ssyncadd.s32 $0xFFFFC000  }
0x61: {  	_ =	swait.ge [sflag:s4], $0x80  }
0x62: {  	[sflag:s4] =	ssyncset.done $0x0  }
0x63: {  	[sflag:s4] =	ssyncadd.s32 $0xFFFFFF80  }
0x64: {  	_ =	swait.ge [sflag:s5], $0x80  }
0x65: {  	[sflag:s5] =	ssyncset.done $0x0  }
0x66: {  	[sflag:s5] =	ssyncadd.s32 $0xFFFFFF80  }
0x67: {  	[tilespmem:s13], [sflag:$0x3] =	stream.indirect.gather [hbm4b:s17+s3], $0x80, s2, s3, $0xb8;
	[tilespmem:$0x1C200] =	vst v63  }
0x68: {  	_ = 	snop  }
0x69: {  	[spmem:s1] =	stream.indirect.scatter.add.f32 [tilespmem:s14], [sflag:$0x7], $0x80, s9, s3, $0xb8;
	[tilespmem:$0x1C200] =	vst v63  }
0x6a: {  	_ =	swait.ge [sflag:s0], $0x4000  }
0x6b: {  	s21 =	simm.s32 $0x20;
	[sflag:s0] =	ssyncset.done $0x0  }
0x6c: {  	s23 =	sadd.s32 $0x0, s15;
	s22 =	sadd.s32 $0x0, s16;
	[sflag:s0] =	ssyncadd.s32 $0xFFFFC000  }
0x6d: {  	[tilespmem:s6], [sflag:$0x4] =	stream.linear.gather [hbm4b:s23+s2], $0x80, $0x38;
	[tilespmem:$0x1C200] =	vst v63  }
.LBB2_2:
0x6e: {  	[tilespmem:s9], [sflag:$0x5] =	stream.linear.gather [hbm4b:s22+s2], $0x80, $0x38;
	[tilespmem:$0x1C200] =	vst v63  }
0x6f: {  	s22 =	smov.u32 s21  }
0x70: {  	p0 =	sne.s32 s21, $0x4A0;
	s21 =	sadd.s32 $0x20, s21;
	_ =	swait.ge [sflag:s10], $0x4000  }
0x71: {  	[sflag:s10] =	ssyncset.done $0x0  }
0x72: {  	[sflag:s10] =	ssyncadd.s32 $0xFFFFC000  }
0x73: {  	_ =	swait.ge [sflag:s11], $0x80  }
0x74: {  	[sflag:s11] =	ssyncset.done $0x0  }
0x75: {  	[sflag:s11] =	ssyncadd.s32 $0xFFFFFF80  }
0x76: {  	_ =	swait.ge [sflag:s12], $0x80  }
0x77: {  	[sflag:s12] =	ssyncset.done $0x0  }
0x78: {  	[sflag:s12] =	ssyncadd.s32 $0xFFFFFF80  }
0x79: {  	[tilespmem:s14], [sflag:$0x6] =	stream.indirect.gather [hbm4b:s17+s3], $0x80, s6, s3, $0xb8;
	[tilespmem:$0x1C200] =	vst v63  }
0x7a: {  	_ = 	snop  }
0x7b: {  	[spmem:s1] =	stream.indirect.scatter.add.f32 [tilespmem:s13], [sflag:$0x7], $0x80, s3, s3, $0xb8;
	[tilespmem:$0x1C200] =	vst v63  }
0x7c: {  	_ =	swait.ge [sflag:s0], $0x4000  }
0x7d: {  	[sflag:s0] =	ssyncset.done $0x0  }
0x7e: {  	s23 =	sadd.s32 s22, s25;
	[sflag:s0] =	ssyncadd.s32 $0xFFFFC000  }
0x7f: {  	[tilespmem:s2], [sflag:$0x1] =	stream.linear.gather [hbm4b:s23+s2], $0x80, $0x38;
	[tilespmem:$0x1C200] =	vst v63  }
0x80: {  	s23 =	sadd.s32 s22, s26  }
0x81: {  	[tilespmem:s3], [sflag:$0x2] =	stream.linear.gather [hbm4b:s23+s2], $0x80, $0x38;
	[tilespmem:$0x1C200] =	vst v63  }
0x82: {  	_ =	swait.ge [sflag:s18], $0x4000  }
0x83: {  	[sflag:s18] =	ssyncset.done $0x0  }
0x84: {  	[sflag:s18] =	ssyncadd.s32 $0xFFFFC000  }
0x85: {  	_ =	swait.ge [sflag:s4], $0x80  }
0x86: {  	[sflag:s4] =	ssyncset.done $0x0  }
0x87: {  	[sflag:s4] =	ssyncadd.s32 $0xFFFFFF80  }
0x88: {  	_ =	swait.ge [sflag:s5], $0x80  }
0x89: {  	[sflag:s5] =	ssyncset.done $0x0  }
0x8a: {  	[sflag:s5] =	ssyncadd.s32 $0xFFFFFF80  }
0x8b: {  	[tilespmem:s13], [sflag:$0x3] =	stream.indirect.gather [hbm4b:s17+s3], $0x80, s2, s3, $0xb8;
	[tilespmem:$0x1C200] =	vst v63  }
0x8c: {  	_ = 	snop  }
0x8d: {  	[spmem:s1] =	stream.indirect.scatter.add.f32 [tilespmem:s14], [sflag:$0x7], $0x80, s9, s3, $0xb8;
	[tilespmem:$0x1C200] =	vst v63  }
.Ltmp0:
0x8e: {  	_ =	swait.ge [sflag:s0], $0x4000;
	(pc) =	sbr.rel @p0 .LBB2_2-.Ltmp0, $4  }
0x8f: {  	[sflag:s0] =	ssyncset.done $0x0  }
0x90: {  	s23 =	sadd.s32 s22, s15;
	[sflag:s0] =	ssyncadd.s32 $0xFFFFC000  }
0x91: {  	[tilespmem:s6], [sflag:$0x4] =	stream.linear.gather [hbm4b:s23+s2], $0x80, $0x38;
	[tilespmem:$0x1C200] =	vst v63  }
0x92: {  	s22 =	sadd.s32 s22, s16  }
0x93: {  	[tilespmem:s9], [sflag:$0x5] =	stream.linear.gather [hbm4b:s22+s2], $0x80, $0x38;
	[tilespmem:$0x1C200] =	vst v63  }
0x94: {  	_ =	swait.ge [sflag:s10], $0x4000  }
0x95: {  	[sflag:s10] =	ssyncset.done $0x0  }
0x96: {  	[sflag:s10] =	ssyncadd.s32 $0xFFFFC000  }
0x97: {  	_ =	swait.ge [sflag:s11], $0x80  }
0x98: {  	[sflag:s11] =	ssyncset.done $0x0  }
0x99: {  	[sflag:s11] =	ssyncadd.s32 $0xFFFFFF80  }
0x9a: {  	_ =	swait.ge [sflag:s12], $0x80  }
0x9b: {  	[sflag:s12] =	ssyncset.done $0x0  }
0x9c: {  	[sflag:s12] =	ssyncadd.s32 $0xFFFFFF80  }
0x9d: {  	[tilespmem:s14], [sflag:$0x6] =	stream.indirect.gather [hbm4b:s17+s3], $0x80, s6, s3, $0xb8;
	[tilespmem:$0x1C200] =	vst v63  }
0x9e: {  	_ = 	snop  }
0x9f: {  	[spmem:s1] =	stream.indirect.scatter.add.f32 [tilespmem:s13], [sflag:$0x7], $0x80, s3, s3, $0xb8;
	[tilespmem:$0x1C200] =	vst v63  }
0xa0: {  	_ =	swait.ge [sflag:s0], $0x4000  }
0xa1: {  	[sflag:s0] =	ssyncset.done $0x0  }
0xa2: {  	[sflag:s0] =	ssyncadd.s32 $0xFFFFC000  }
0xa3: {  	[tilespmem:s2], [sflag:$0x1] =	stream.linear.gather [hbm4b:s7+s2], $0x80, $0x38;
	[tilespmem:$0x1C200] =	vst v63  }
0xa4: {  	_ = 	snop  }
0xa5: {  	[tilespmem:s3], [sflag:$0x2] =	stream.linear.gather [hbm4b:s8+s2], $0x80, $0x38;
	[tilespmem:$0x1C200] =	vst v63  }
0xa6: {  	_ =	swait.ge [sflag:s18], $0x4000  }
0xa7: {  	[sflag:s18] =	ssyncset.done $0x0  }
0xa8: {  	[sflag:s18] =	ssyncadd.s32 $0xFFFFC000  }
0xa9: {  	_ =	swait.ge [sflag:s4], $0x80  }
0xaa: {  	[sflag:s4] =	ssyncset.done $0x0  }
0xab: {  	[sflag:s4] =	ssyncadd.s32 $0xFFFFFF80  }
0xac: {  	_ =	swait.ge [sflag:s5], $0x80  }
0xad: {  	[sflag:s5] =	ssyncset.done $0x0  }
0xae: {  	[sflag:s5] =	ssyncadd.s32 $0xFFFFFF80  }
0xaf: {  	[tilespmem:s13], [sflag:$0x3] =	stream.indirect.gather [hbm4b:s17+s3], $0x80, s2, s3, $0xb8;
	[tilespmem:$0x1C200] =	vst v63  }
0xb0: {  	_ = 	snop  }
0xb1: {  	[spmem:s1] =	stream.indirect.scatter.add.f32 [tilespmem:s14], [sflag:$0x7], $0x80, s9, s3, $0xb8;
	[tilespmem:$0x1C200] =	vst v63  }
0xb2: {  	_ =	swait.ge [sflag:s0], $0x4000  }
0xb3: {  	[sflag:s0] =	ssyncset.done $0x0  }
0xb4: {  	[sflag:s0] =	ssyncadd.s32 $0xFFFFC000  }
0xb5: {  	[tilespmem:s6], [sflag:$0x4] =	stream.linear.gather [hbm4b:s7+s2], $0x80, $0x38;
	[tilespmem:$0x1C200] =	vst v63  }
0xb6: {  	_ = 	snop  }
0xb7: {  	[tilespmem:s9], [sflag:$0x5] =	stream.linear.gather [hbm4b:s8+s2], $0x80, $0x38;
	[tilespmem:$0x1C200] =	vst v63  }
0xb8: {  	_ =	swait.ge [sflag:s10], $0x4000  }
0xb9: {  	[sflag:s10] =	ssyncset.done $0x0  }
0xba: {  	[sflag:s10] =	ssyncadd.s32 $0xFFFFC000  }
0xbb: {  	[spmem:s1] =	stream.indirect.scatter.add.f32 [tilespmem:s13], [sflag:$0x7], $0x80, s3, s3, $0xb8;
	[tilespmem:$0x1C200] =	vst v63  }
0xbc: {  	_ =	swait.ge [sflag:s0], $0x4000  }
0xbd: {  	[sflag:s0] =	ssyncset.done $0x0  }
0xbe: {  	[sflag:s0] =	ssyncadd.s32 $0xFFFFC000  }
0xbf: {  	_ =	swait.ge [sflag:s11], $0x80  }
0xc0: {  	[sflag:s11] =	ssyncset.done $0x0  }
0xc1: {  	[sflag:s11] =	ssyncadd.s32 $0xFFFFFF80  }
0xc2: {  	_ =	swait.ge [sflag:s12], $0x80  }
0xc3: {  	[sflag:s12] =	ssyncset.done $0x0  }
0xc4: {  	[sflag:s12] =	ssyncadd.s32 $0xFFFFFF80  }
0xc5: {  	[bflag:$0x0] =	sbarrier.arrive $0xFFFF  }
0xc6: {  	[tilespmem:s13], [sflag:$0x7] =	stream.linear.gather [spmem:s19], $0x4000, $0x38;
	[tilespmem:$0x1C200] =	vst v63  }
0xc7: {  	_ =	swait.ge [sflag:s0], $0x4000  }
0xc8: {  	[sflag:s0] =	ssyncset.done $0x0  }
0xc9: {  	s21 =	rddreg [dreg:$0x7];
	[sflag:s0] =	ssyncadd.s32 $0xFFFFC000  }
0xca: {  	[hbm4b:s21+s2] =	stream.linear.scatter [tilespmem:s13], [sflag:$0x7], $0x4000, $0x38;
	[tilespmem:$0x1C200] =	vst v63  }
0xcb: {  	_ =	swait.ge [sflag:s0], $0x4000  }
0xcc: {  	[sflag:s0] =	ssyncset.done $0x0  }
0xcd: {  	s22 =	rddreg [dreg:$0xe];
	[sflag:s0] =	ssyncadd.s32 $0xFFFFC000  }
0xce: {  	[tilespmem:s13], [sflag:$0x7] =	stream.linear.gather [spmem:s22], $0x4000, $0x38;
	[tilespmem:$0x1C200] =	vst v63  }
0xcf: {  	_ =	swait.ge [sflag:s0], $0x4000  }
0xd0: {  	[sflag:s0] =	ssyncset.done $0x0  }
0xd1: {  	s23 =	rddreg [dreg:$0x8];
	[sflag:s0] =	ssyncadd.s32 $0xFFFFC000  }
0xd2: {  	[hbm4b:s23+s2] =	stream.linear.scatter [tilespmem:s13], [sflag:$0x7], $0x4000, $0x38;
	[tilespmem:$0x1C200] =	vst v63  }
0xd3: {  	_ =	swait.ge [sflag:s0], $0x4000  }
0xd4: {  	[sflag:s0] =	ssyncset.done $0x0  }
0xd5: {  	s22 =	rddreg [dreg:$0xf];
	[sflag:s0] =	ssyncadd.s32 $0xFFFFC000  }
0xd6: {  	[tilespmem:s13], [sflag:$0x7] =	stream.linear.gather [spmem:s22], $0x4000, $0x38;
	[tilespmem:$0x1C200] =	vst v63  }
0xd7: {  	_ =	swait.ge [sflag:s0], $0x4000  }
0xd8: {  	[sflag:s0] =	ssyncset.done $0x0  }
0xd9: {  	s23 =	rddreg [dreg:$0x9];
	[sflag:s0] =	ssyncadd.s32 $0xFFFFC000  }
0xda: {  	[hbm4b:s23+s2] =	stream.linear.scatter [tilespmem:s13], [sflag:$0x7], $0x4000, $0x38;
	[tilespmem:$0x1C200] =	vst v63  }
0xdb: {  	_ =	swait.ge [sflag:s0], $0x4000  }
0xdc: {  	[sflag:s0] =	ssyncset.done $0x0  }
0xdd: {  	s22 =	rddreg [dreg:$0x10];
	[sflag:s0] =	ssyncadd.s32 $0xFFFFC000  }
0xde: {  	[tilespmem:s13], [sflag:$0x7] =	stream.linear.gather [spmem:s22], $0x4000, $0x38;
	[tilespmem:$0x1C200] =	vst v63  }
0xdf: {  	_ =	swait.ge [sflag:s0], $0x4000  }
0xe0: {  	[sflag:s0] =	ssyncset.done $0x0  }
0xe1: {  	s23 =	rddreg [dreg:$0xa];
	[sflag:s0] =	ssyncadd.s32 $0xFFFFC000  }
0xe2: {  	[hbm4b:s23+s2] =	stream.linear.scatter [tilespmem:s13], [sflag:$0x7], $0x4000, $0x38;
	[tilespmem:$0x1C200] =	vst v63  }
0xe3: {  	_ =	swait.ge [sflag:s0], $0x4000  }
0xe4: {  	[sflag:s0] =	ssyncset.done $0x0  }
0xe5: {  	[sflag:s0] =	ssyncadd.s32 $0xFFFFC000  }
0xe6: {  	[tilespmem:s13], [sflag:$0x7] =	stream.linear.gather [spmem:s24], $0x4000, $0x38;
	[tilespmem:$0x1C200] =	vst v63  }
0xe7: {  	_ =	swait.ge [sflag:s0], $0x4000  }
0xe8: {  	[sflag:s0] =	ssyncset.done $0x0  }
0xe9: {  	s22 =	rddreg [dreg:$0xb];
	[sflag:s0] =	ssyncadd.s32 $0xFFFFC000  }
0xea: {  	[hbm4b:s22+s2] =	stream.linear.scatter [tilespmem:s13], [sflag:$0x7], $0x4000, $0x38;
	[tilespmem:$0x1C200] =	vst v63  }
0xeb: {  	_ =	swait.ge [sflag:s0], $0x4000  }
0xec: {  	s20 =	sadd.s32 $0x1, s20;
	s23 =	rddreg [dreg:$0xd]  }
0xed: {  	p0 =	sne.s32 s20, s23  }
.Ltmp1:
0xee: {  	_ = 	snop;
	(pc) =	sbr.rel @p0 .LBB2_1-.Ltmp1, $3  }
0xef: {  	_ =	sdelay $0x1  }
0xf0: {  	[sflag:s0] =	ssyncset.done $0x0  }
0xf1: {  	[sflag:s0] =	ssyncadd.s32 $0xFFFFC000  }
0xf2: {  	_ =	sfence.sel $0x180000  }
0xf3: {  	[bflag:$0x0] =	sbarrier.arrive $0xFFFF  }
0xf4: {  	_ =	strace $0x9000004D  }
0xf5: {  	s0 =	stileid.u32;
	[bflag:$0x2] =	sbarrier.arrive $0xFFFF  }
0xf6: {  	p0 =	sne.s32 s0, $0x0;
	s0 =	rddreg [dreg:$0x2]  }
0xf7: {  	s0 =	sadd.s32 @!p0 $0x100000, s0  }
0xf8: {  	[sflag:s0] =	ssyncadd.tile.s32 @!p0 $0x1;
	_ =	shalt  }
.Lfunc_end2:
_tile_overlayer_lowered:
.L_overlay_start_2:
0xf9: {  	(tag) =	ssettag $0x2  }
0xfa: {  	s0 =	rddreg [dreg:$0x0];
	s2 =	stileid.u32  }
0xfb: {  	s1 =	rddreg [dreg:$0x1];
	p0 =	sne.s32 s2, $0x0  }
0xfc: {  	s3 =	rddreg [dreg:$0x2];
	[bflag:$0x3] =	sbarrier.arrive $0xFFFF;
	s2 =	simm.s32 @!p0 $0x1C07  }
0xfd: {  	[timem:s3], [sflag:s2] =	dma.local @!p0 [hbm:s0], s1  }
0xfe: {  	s0 =	simm.s32 @!p0 $0x7  }
0xff: {  	_ =	swait.ge @!p0 [sflag:s0], s1  }
0x100: {  	s1 =	ssub.s32 @!p0 $0x0, s1;
	[sflag:s0] =	ssyncset.done @!p0 $0x0  }
0x101: {  	[sflag:s0] =	ssyncadd.s32 @!p0 s1  }
0x102: {  	[bflag:$0x3] =	sbarrier.arrive $0xFFFF  }
0x103: {  	_ =	shalt  }

// kernel: kernel.8.cloned.1.call-start
scs
__scs_entry_jumppad:
0x0: {  	(pc) =	sbr.rel $0x88, $3  }
0x1: {  	(tag) =	ssettag $0x0;
	lr =	simm.s32 $0x1  }
0x2: {  	[smem:$0x3F9B] =	sst lr;
	_ =	strace $0xD0000000  }
0x3: {  	_ = 	snop  }
0x4: {  	_ = 	snop  }
0x5: {  	_ = 	snop  }
0x6: {  	_ = 	snop  }
0x7: {  	_ = 	snop  }
__scs_overlays_trampoline_lowered:
0x8: {  	[smem:$0x3FAA] =	sst s0  }
0x9: {  	[smem:$0x3FAB] =	sst s1  }
0xa: {  	[smem:$0x3FAC] =	sst s2  }
0xb: {  	[smem:$0x3FAD] =	sst s3  }
0xc: {  	[smem:$0x3FAE] =	sst s4  }
0xd: {  	[smem:$0x3FAF] =	sst s5  }
0xe: {  	[smem:$0x3FB0] =	sst s6  }
0xf: {  	[smem:$0x3FB1] =	sst s7  }
0x10: {  	[smem:$0x3FB2] =	sst s8  }
0x11: {  	[smem:$0x3FB3] =	sst s9;
	s0 =	simm.s32 @!p0 $0x0  }
0x12: {  	s1 =	sld [smem:$0x3F99];
	s0 =	simm.s32 @p0 $0x1  }
0x13: {  	[smem:$0x3FB4] =	sst s0;
	s0 =	simm.s32 @!p1 $0x0  }
0x14: {  	s2 =	sld [smem:$0x3F98];
	s0 =	simm.s32 @p1 $0x1  }
0x15: {  	[smem:$0x3FB5] =	sst s0;
	s0 =	simm.s32 @!p2 $0x0  }
0x16: {  	s3 =	sld [smem:$0x3FDB];
	s0 =	simm.s32 @p2 $0x1  }
0x17: {  	s4 =	simm.s32 $0x1BF5;
	[smem:$0x3FB7] =	sst s0  }
0x18: {  	s0 =	sld [smem:$0x3F9A];
	_ =	swait.ge [sflag:s4], $0x0  }
0x19: {  	s7 =	sld [smem:$0x3F9B]  }
0x1a: {  	s8 =	sadd.s32 $0xFFFFE003, lr  }
0x1b: {  	s9 =	sadd.s32 $0xFFFFFEF7, lr;
	s5 =	simm.s32 $0xFFFFFFFF;
	p2 =	slt.u32 s8, $0xFFFFF086  }
0x1c: {  	p1 =	slt.u32 s9, $0xF7A;
	s5 =	simm.s32 @!p2 $0x0  }
0x1d: {  	s5 =	simm.s32 @p1 $0x1;
	p0 =	seq.s32 s7, s2  }
0x1e: {  	s7 =	smul.u32 @!p0 $0xF7A, s2;
	p2 =	seq.s32 @!p0 s5, $0x0  }
0x1f: {  	s9 =	smul.u32 $0xF7A, s1;
	s8 =	simm.s32 @!p0 $0x1BF5;
	p2 =	por !p2, p0  }
0x20: {  	[sflag:s8] =	ssyncset.s32 @!p0 $0xFFFFF086;
	s6 =	sadd.s32 @!p0 s3, s7;
	s7 =	simm.s32 @!p0 $0x108  }
0x21: {  	s3 =	sadd.s32 s3, s9;
	s6 =	sadd.s32 @!p0 $0x88, s6;
	s7 =	simm.s32 @p2 $0x1082  }
0x22: {  	[simem:s7], [sflag:s8] =	dma.local @!p0 [hbm:s6], $0xF7A  }
0x23: {  	s9 =	sor.u32 $0xD0000000, s2;
	s6 =	simm.s32 $0x108;
	_ =	swait.ge @!p0 [sflag:s8], $0x0  }
0x24: {  	s3 =	sadd.s32 $0x88, s3;
	s6 =	simm.s32 @!p1 $0x1082;
	[sflag:s4] =	ssyncset.s32 $0xFFFFF086  }
0x25: {  	[simem:s6], [sflag:s4] =	dma.local [hbm:s3], $0xF7A  }
0x26: {  	[smem:$0x3F9B] =	sst s1;
	(tag) =	ssettag s2;
	_ =	strace s9  }
0x27: {  	s1 =	sld [smem:$0x3FAB]  }
0x28: {  	s2 =	sld [smem:$0x3FAC]  }
0x29: {  	s4 =	sld [smem:$0x3FAE]  }
0x2a: {  	p0 =	seq.s32 s5, $0x0;
	s5 =	sld [smem:$0x3FAF]  }
0x2b: {  	s6 =	sld [smem:$0x3FB0]  }
0x2c: {  	s7 =	sld [smem:$0x3FB1]  }
0x2d: {  	s3 =	simm.s32 $0x108;
	s8 =	sld [smem:$0x3FB2]  }
0x2e: {  	s3 =	simm.s32 @!p0 $0x1082;
	s9 =	sld [smem:$0x3FB3]  }
0x2f: {  	lr =	sadd.s32 s0, s3;
	s0 =	sld [smem:$0x3FAA]  }
0x30: {  	s3 =	sld [smem:$0x3FAD]  }
0x31: {  	[smem:$0x3FB6] =	sst s10  }
0x32: {  	s10 =	sld [smem:$0x3FB4];
	_ =	sdelay $0x3  }
0x33: {  	p0 =	seq.s32 s10, $0x1;
	s10 =	sld [smem:$0x3FB6];
	_ =	sdelay $0x3  }
0x34: {  	[smem:$0x3FB6] =	sst s10  }
0x35: {  	s10 =	sld [smem:$0x3FB5];
	_ =	sdelay $0x3  }
0x36: {  	p1 =	seq.s32 s10, $0x1;
	s10 =	sld [smem:$0x3FB6];
	_ =	sdelay $0x3  }
0x37: {  	[smem:$0x3FB6] =	sst s10  }
0x38: {  	s10 =	sld [smem:$0x3FB7]  }
0x39: {  	_ = 	snop;
	(pc) =	sbr.ind lr, $3  }
0x3a: {  	_ = 	snop  }
0x3b: {  	_ = 	snop  }
0x3c: {  	p2 =	seq.s32 s10, $0x1;
	s10 =	sld [smem:$0x3FB6]  }
0x3d: {  	_ =	shalt  }
0x3e: {  	_ =	shalt  }
0x3f: {  	_ =	shalt  }
0x40: {  	_ =	shalt  }
0x41: {  	_ =	shalt  }
0x42: {  	_ =	shalt  }
0x43: {  	_ =	shalt  }
0x44: {  	_ =	shalt  }
0x45: {  	_ =	shalt  }
0x46: {  	_ =	shalt  }
0x47: {  	_ =	shalt  }
0x48: {  	_ =	shalt  }
0x49: {  	_ =	shalt  }
0x4a: {  	_ =	shalt  }
0x4b: {  	_ =	shalt  }
0x4c: {  	_ =	shalt  }
0x4d: {  	_ =	shalt  }
0x4e: {  	_ =	shalt  }
0x4f: {  	_ =	shalt  }
0x50: {  	_ =	shalt  }
0x51: {  	_ =	shalt  }
0x52: {  	_ =	shalt  }
0x53: {  	_ =	shalt  }
0x54: {  	_ =	shalt  }
0x55: {  	_ =	shalt  }
0x56: {  	_ =	shalt  }
0x57: {  	_ =	shalt  }
0x58: {  	_ =	shalt  }
0x59: {  	_ =	shalt  }
0x5a: {  	_ =	shalt  }
0x5b: {  	_ =	shalt  }
0x5c: {  	_ =	shalt  }
0x5d: {  	_ =	shalt  }
0x5e: {  	_ =	shalt  }
0x5f: {  	_ =	shalt  }
0x60: {  	_ =	shalt  }
0x61: {  	_ =	shalt  }
0x62: {  	_ =	shalt  }
0x63: {  	_ =	shalt  }
0x64: {  	_ =	shalt  }
0x65: {  	_ =	shalt  }
0x66: {  	_ =	shalt  }
0x67: {  	_ =	shalt  }
0x68: {  	_ =	shalt  }
0x69: {  	_ =	shalt  }
0x6a: {  	_ =	shalt  }
0x6b: {  	_ =	shalt  }
0x6c: {  	_ =	shalt  }
0x6d: {  	_ =	shalt  }
0x6e: {  	_ =	shalt  }
0x6f: {  	_ =	shalt  }
0x70: {  	_ =	shalt  }
0x71: {  	_ =	shalt  }
0x72: {  	_ =	shalt  }
0x73: {  	_ =	shalt  }
0x74: {  	_ =	shalt  }
0x75: {  	_ =	shalt  }
0x76: {  	_ =	shalt  }
0x77: {  	_ =	shalt  }
0x78: {  	_ =	shalt  }
0x79: {  	_ =	shalt  }
0x7a: {  	_ =	shalt  }
0x7b: {  	_ =	shalt  }
0x7c: {  	_ =	shalt  }
0x7d: {  	_ =	shalt  }
0x7e: {  	_ =	shalt  }
0x7f: {  	_ =	shalt  }
0x80: {  	_ =	shalt  }
0x81: {  	_ =	shalt  }
0x82: {  	_ =	shalt  }
0x83: {  	_ =	shalt  }
0x84: {  	_ =	shalt  }
0x85: {  	_ =	shalt  }
0x86: {  	_ =	shalt  }
0x87: {  	_ =	shalt  }
.Lfunc_end0:
.L_simem_size_0:
called_computation_lowered:
.L_overlay_start_0:
0x88: {  	s2 =	sld [smem:$0x3FD9]  }
0x89: {  	s3 =	sld [smem:$0x3FFE];
	_ =	sdelay $0x1  }
0x8a: {  	s1 =	srdreg.scid  }
0x8b: {  	s0 =	sand.u32 $0x1, s1  }
0x8c: {  	s17 =	sshll.u32 s0, $0xA;
	s2 =	sadd.s32 s3, s2  }
0x8d: {  	s2 =	sadd.s32 s2, s17  }
0x8e: {  	[smem:$0x3FC2] =	sst s2  }
0x8f: {  	_ = 	snop  }
0x90: {  	(tm) =	ssettm $0x1  }
0x91: {  	s18 =	sld [smem:$0x3FFB];
	_ =	sdelay $0x3  }
0x92: {  	_ =	strace s18  }
0x93: {  	s2 =	sld [smem:$0x3FFC];
	_ =	sdelay $0x3  }
0x94: {  	_ =	strace s2  }
0x95: {  	s2 =	sld [smem:$0x3FFD];
	_ =	sdelay $0x3  }
0x96: {  	_ =	strace s2  }
0x97: {  	_ =	strace $0x8FFFFFFF  }
0x98: {  	s19 =	sld [smem:$0x3FDB];
	_ =	sdelay $0x1  }
0x99: {  	s20 =	simm.s32 $_scs_section_size  }
0x9a: {  	s4 =	simm.s32 $_size__tile_overlayer_lowered;
	s5 =	simm.s32 $_tile_overlayer_lowered  }
0x9b: {  	s6 =	simm.s32 $0x1BFF;
	s21 =	sshll.u32 s5, $0x1;
	s3 =	sadd.s32 s20, s19  }
0x9c: {  	s22 =	simm.s32 $0x0;
	s4 =	sshll.u32 s4, $0x1;
	s5 =	sadd.s32 s21, s3  }
0x9d: {  	[timem:s22], [sflag:s6] =	dma.local [hbm:s5], s4  }
0x9e: {  	_ =	swait.ge [sflag:s6], s4  }
0x9f: {  	s4 =	ssub.s32 $0x0, s4;
	[sflag:s6] =	ssyncset.done $0x0  }
0xa0: {  	[sflag:s6] =	ssyncadd.s32 s4;
	_ =	sdelay $0x1  }
0xa1: {  	s23 =	simm.s32 $0x1B8B  }
0xa2: {  	_ =	swait.ge [sflag:s23], $0x1  }
0xa3: {  	[sflag:s23] =	ssyncset.done $0x0  }
0xa4: {  	[sflag:s23] =	ssyncadd.s32 $0xFFFFFFFF  }
0xa5: {  	s4 =	sld [smem:$0x0]  }
0xa6: {  	s5 =	sand.u32 $0xFFFFFFFE, s1  }
0xa7: {  	p0 =	sne.s32 s1, s5  }
0xa8: {  	s5 =	sshll.u32 @p0 s5, $0xE  }
0xa9: {  	s5 =	sadd.s32 @p0 $0x11B8D, s5;
	s6 =	sshll.u32 @p0 s4, $0x11  }
0xaa: {  	s5 =	sor.u32 @p0 s6, s5  }
0xab: {  	[sflag:s5] =	ssyncadd.remote.s32 @p0 $0x1;
	_ =	sdelay $0x1  }
0xac: {  	s5 =	simm.s32 @p0 $0x1B8D  }
0xad: {  	_ =	swait.eq @p0 [sflag:s5], $0x1  }
0xae: {  	[sflag:s5] =	ssyncadd.s32 @p0 $0xFFFFFFFF  }
0xaf: {  	s6 =	sshll.u32 @!p0 s1, $0xE  }
0xb0: {  	s6 =	sor.u32 @!p0 $0x4000, s6;
	s5 =	simm.s32 @!p0 $0x1B8D  }
0xb1: {  	s4 =	sshll.u32 @!p0 s4, $0x11;
	s6 =	sadd.s32 @!p0 $0x11B8D, s6;
	_ =	swait.eq @!p0 [sflag:s5], $0x1  }
0xb2: {  	s4 =	sor.u32 @!p0 s4, s6;
	[sflag:s5] =	ssyncadd.s32 @!p0 $0xFFFFFFFF  }
0xb3: {  	s25 =	simm.s32 $0x1B8E;
	s24 =	sld [smem:$0x3FFE];
	[sflag:s4] =	ssyncadd.remote.s32 @!p0 $0x1  }
0xb4: {  	s26 =	simm.s32 $execute0_lowered;
	[smem:$0x3FD2] =	sst s25  }
0xb5: {  	s5 =	sshll.u32 s26, $0x1;
	_ =	strace $0x80000049;
	[dreg:$0x1] =	wrdreg $0xFFFFFFFF  }
0xb6: {  	s28 =	simm.s32 $_size_execute0_lowered;
	s3 =	sadd.s32 s3, s5;
	[dreg:$0x0] =	wrdreg $0x0  }
0xb7: {  	s5 =	sshll.u32 s28, $0x1;
	[dreg:$0x2] =	wrdreg s3  }
0xb8: {  	[dreg:$0x3] =	wrdreg s5  }
0xb9: {  	[dreg:$0x4] =	wrdreg $0xC0  }
0xba: {  	_ =	task [dreg:s22], $0x5FFFF  }
0xbb: {  	[dreg:$0x1] =	wrdreg $0xFFFFFFFF  }
0xbc: {  	[dreg:$0x0] =	wrdreg $0x60  }
0xbd: {  	[dreg:$0x2] =	wrdreg s24  }
0xbe: {  	[dreg:$0x3] =	wrdreg $0x41000  }
0xbf: {  	[dreg:$0x4] =	wrdreg $0x9  }
0xc0: {  	_ =	task.clear_ibuf [dreg:s22], $0x5FFFF;
	_ =	strace $0x90000049  }
0xc1: {  	s29 =	simm.s32 $0x9;
	_ =	strace $0x8000004B  }
0xc2: {  	_ =	swait.ge [sflag:s29], $0x1  }
0xc3: {  	[sflag:s29] =	ssyncadd.s32 $0xFFFFFFFF  }
0xc4: {  	_ =	strace $0x9000004B  }
0xc5: {  	_ =	sfence  }
0xc6: {  	s30 =	sld [smem:$0x0];
	_ =	sdelay $0x2  }
0xc7: {  	s31 =	sshll.u32 s1, $0xD;
	s1 =	sshrl.u32 s1, $0x2  }
0xc8: {  	s4 =	sand.u32 $0x4000, s31;
	s1 =	sadd.s32 s1, s30  }
0xc9: {  	s0 =	sor.u32 s4, s0;
	s1 =	sshll.u32 s1, $0x11  }
0xca: {  	s0 =	sor.u32 s1, s0  }
0xcb: {  	s0 =	sadd.s32 $0x8F2B, s0  }
0xcc: {  	[sflag:s0] =	ssyncadd.remote.s32 $0x1  }
0xcd: {  	_ =	sfence.sel $0xFFFF  }
0xce: {  	[dreg:$0x0] =	wrdreg $0xFFFFFFFF;
	(pc) =	sbr.abs _section_cstart, $3  }
0xcf: {  	[dreg:$0x1] =	wrdreg $0xFFFFFFFF  }
0xd0: {  	_ =	task.clear_ibuf [dreg:s22], $0x2FFFF;
	_ =	strace $0x9FFFFFFF  }
0xd1: {  	(tm) =	ssettm $0x7FFFFFFF  }
tec
execute0_lowered:
.L_overlay_start_1:
0x0: {  	(tag) =	ssettag $0x1  }
0x1: {  	s6 =	rddreg [dreg:$0x0]  }
0x2: {  	s1 =	rddreg [dreg:$0x1]  }
0x3: {  	s2 =	simm.s32 $0x0;
	s5 =	srdreg.scid;
	s0 =	stileid.u32  }
0x4: {  	s28 =	simm.s32 $0x80;
	s29 =	simm.s32 $0x2;
	s30 =	simm.s32 $0x0  }
0x5: {  	[smem:$0x7FF] =	sst s2;
	s21 =	sadd.s32 $0xCC00, s6;
	s8 =	smul.u32 $0x50000, s0  }
0x6: {  	s4 =	sadd.s32 $0x3DC00, s6;
	s17 =	sand.u32 $0x1, s5;
	s19 =	smul.u32 $0x14000, s0  }
0x7: {  	s7 =	sshll.u32 s0, $0x1;
	s5 =	sadd.s32 $0x8E400, s6;
	s23 =	smul.u32 $0x9E, s0  }
0x8: {  	s22 =	sadd.s32 $0x8EC00, s6;
	_ =	strace $0x8000004A;
	s20 =	smul.u32 $0x140000, s17  }
0x9: {  	s7 =	sor.u32 s17, s7;
	s26 =	ssub.s32 $0x2, s17;
	s25 =	smul.u32 $0x4F, s17  }
0xa: {  	s7 =	smul.u32 $0x4F0, s7;
	s9 =	sshrl.u32 s26, $0x1;
	s8 =	sshrl.u32 s8, $0x2  }
0xb: {  	s14 =	sadd.s32 $0x4000, s19;
	s18 =	sadd.s32 $0x8000, s19;
	s24 =	sadd.s32 $0xC000, s19  }
0xc: {  	s9 =	ssub.s32 s26, s9;
	s6 =	sadd.s32 s8, s1;
	s12 =	sadd.s32 s20, s19  }
0xd: {  	s15 =	sadd.s32 s20, s14;
	s14 =	sadd.s32 s14, s1;
	s16 =	sadd.s32 s18, s1  }
0xe: {  	s18 =	sadd.s32 s20, s18;
	s26 =	sadd.s32 $0x10000, s19;
	s23 =	sadd.s32 s25, s23  }
0xf: {  	s25 =	simm.s32 $0x3;
	s7 =	sadd.s32 s21, s7;
	s8 =	smax.u32 s9, $0x1  }
0x10: {  	s9 =	sadd.s32 $0x4000, s6;
	s10 =	sadd.s32 $0x8000, s6;
	s11 =	sadd.s32 $0xC000, s6  }
0x11: {  	s13 =	sshrl.u32 s12, $0x3;
	s12 =	sadd.s32 $0x10000, s6;
	s15 =	sshrl.u32 s15, $0x3  }
0x12: {  	s18 =	sshrl.u32 s18, $0x3;
	s31 =	sadd.s32 s20, s26;
	s23 =	sshll.u32 s23, $0x4  }
0x13: {  	s17 =	sadd.s32 s22, s18;
	s18 =	sadd.s32 s24, s1;
	s24 =	sadd.s32 s20, s24  }
0x14: {  	s13 =	sadd.s32 s22, s13;
	s15 =	sadd.s32 s22, s15;
	s24 =	sshrl.u32 s24, $0x3  }
0x15: {  	s20 =	sadd.s32 s26, s1;
	s19 =	sadd.s32 s22, s24;
	s24 =	sshrl.u32 s31, $0x3  }
0x16: {  	s23 =	sadd.s32 s23, s21;
	s26 =	simm.s32 $0x1;
	s21 =	sadd.s32 s22, s24  }
0x17: {  	s22 =	sadd.s32 $0x20, s23;
	s23 =	sadd.s32 $0x10, s23;
	s24 =	simm.s32 $0x100  }
.LBB2_1:
0x18: {  	[tilespmem:s24], [sflag:$0x3] =	stream.linear.gather [hbm4b:s4+s2], $0x4000, $0x38;
	[tilespmem:$0x18100] =	vst v63  }
0x19: {  	_ =	swait.ge [sflag:s25], $0x4000  }
0x1a: {  	[sflag:s25] =	ssyncset.done $0x0  }
0x1b: {  	[sflag:s25] =	ssyncadd.s32 $0xFFFFC000  }
0x1c: {  	[spmem:s6] =	stream.linear.scatter [tilespmem:s24], [sflag:$0x3], $0x4000, $0x38;
	[tilespmem:$0x18100] =	vst v63  }
0x1d: {  	_ =	swait.ge [sflag:s25], $0x4000  }
0x1e: {  	[sflag:s25] =	ssyncset.done $0x0  }
0x1f: {  	[sflag:s25] =	ssyncadd.s32 $0xFFFFC000  }
0x20: {  	[spmem:s9] =	stream.linear.scatter [tilespmem:s24], [sflag:$0x3], $0x4000, $0x38;
	[tilespmem:$0x18100] =	vst v63  }
0x21: {  	_ =	swait.ge [sflag:s25], $0x4000  }
0x22: {  	[sflag:s25] =	ssyncset.done $0x0  }
0x23: {  	[sflag:s25] =	ssyncadd.s32 $0xFFFFC000  }
0x24: {  	[spmem:s10] =	stream.linear.scatter [tilespmem:s24], [sflag:$0x3], $0x4000, $0x38;
	[tilespmem:$0x18100] =	vst v63  }
0x25: {  	_ =	swait.ge [sflag:s25], $0x4000  }
0x26: {  	[sflag:s25] =	ssyncset.done $0x0  }
0x27: {  	[sflag:s25] =	ssyncadd.s32 $0xFFFFC000  }
0x28: {  	[spmem:s11] =	stream.linear.scatter [tilespmem:s24], [sflag:$0x3], $0x4000, $0x38;
	[tilespmem:$0x18100] =	vst v63  }
0x29: {  	_ =	swait.ge [sflag:s25], $0x4000  }
0x2a: {  	[sflag:s25] =	ssyncset.done $0x0  }
0x2b: {  	[sflag:s25] =	ssyncadd.s32 $0xFFFFC000  }
0x2c: {  	[spmem:s12] =	stream.linear.scatter [tilespmem:s24], [sflag:$0x3], $0x4000, $0x38;
	[tilespmem:$0x18100] =	vst v63  }
0x2d: {  	_ =	swait.ge [sflag:s25], $0x4000  }
0x2e: {  	[sflag:s25] =	ssyncset.done $0x0  }
0x2f: {  	[sflag:s25] =	ssyncadd.s32 $0xFFFFC000  }
0x30: {  	[tilespmem:s24], [sflag:$0x3] =	stream.linear.gather [hbm4b:s5+s2], $0x4000, $0x38;
	[tilespmem:$0x18100] =	vst v63  }
0x31: {  	_ =	swait.ge [sflag:s25], $0x4000  }
0x32: {  	[sflag:s25] =	ssyncset.done $0x0  }
0x33: {  	[sflag:s25] =	ssyncadd.s32 $0xFFFFC000  }
0x34: {  	[bflag:$0x0] =	sbarrier.arrive $0xFFFF  }
0x35: {  	[tilespmem:s2], [sflag:$0x1] =	stream.linear.gather [hbm4b:s7+s2], $0x80, $0x38;
	[tilespmem:$0x18100] =	vst v63  }
0x36: {  	_ =	swait.ge [sflag:s26], $0x80  }
0x37: {  	[sflag:s26] =	ssyncset.done $0x0  }
0x38: {  	s31 =	sadd.s32 $0x0, s23;
	[sflag:s26] =	ssyncadd.s32 $0xFFFFFF80  }
0x39: {  	[tilespmem:s28], [sflag:$0x2] =	stream.linear.gather [hbm4b:s31+s2], $0x80, $0x38;
	[tilespmem:$0x18100] =	vst v63  }
0x3a: {  	_ = 	snop  }
0x3b: {  	[spmem:s1] =	stream.indirect.scatter.add.f32 [tilespmem:s24], [sflag:$0x3], $0x80, s2, s28, $0xb8;
	[tilespmem:$0x18100] =	vst v63  }
0x3c: {  	_ =	swait.ge [sflag:s25], $0x4000  }
0x3d: {  	[sflag:s25] =	ssyncset.done $0x0  }
0x3e: {  	[sflag:s25] =	ssyncadd.s32 $0xFFFFC000  }
0x3f: {  	_ =	swait.ge [sflag:s29], $0x80  }
0x40: {  	[sflag:s29] =	ssyncset.done $0x0  }
0x41: {  	s31 =	sadd.s32 $0x0, s22;
	[sflag:s29] =	ssyncadd.s32 $0xFFFFFF80  }
0x42: {  	[tilespmem:s2], [sflag:$0x1] =	stream.linear.gather [hbm4b:s31+s2], $0x80, $0x38;
	[tilespmem:$0x18100] =	vst v63  }
0x43: {  	_ = 	snop  }
0x44: {  	[spmem:s1] =	stream.indirect.scatter.add.f32 [tilespmem:s24], [sflag:$0x3], $0x80, s28, s28, $0xb8;
	[tilespmem:$0x18100] =	vst v63  }
0x45: {  	_ =	swait.ge [sflag:s25], $0x4000  }
0x46: {  	s31 =	simm.s32 $0x20;
	[sflag:s25] =	ssyncset.done $0x0  }
.LBB2_2:
0x47: {  	p0 =	sne.s32 s31, $0x4C0  }
0x48: {  	[sflag:s25] =	ssyncadd.s32 $0xFFFFC000;
	s0 =	smov.u32 s31;
	s31 =	sadd.s32 $0x20, s31  }
0x49: {  	_ = 	snop  }
0x4a: {  	_ =	swait.ge [sflag:s26], $0x80  }
0x4b: {  	[sflag:s26] =	ssyncset.done $0x0  }
0x4c: {  	s3 =	sadd.s32 s0, s23;
	[sflag:s26] =	ssyncadd.s32 $0xFFFFFF80  }
0x4d: {  	[tilespmem:s28], [sflag:$0x2] =	stream.linear.gather [hbm4b:s3+s2], $0x80, $0x38;
	[tilespmem:$0x18100] =	vst v63  }
0x4e: {  	_ = 	snop  }
0x4f: {  	[spmem:s1] =	stream.indirect.scatter.add.f32 [tilespmem:s24], [sflag:$0x3], $0x80, s2, s28, $0xb8;
	[tilespmem:$0x18100] =	vst v63  }
0x50: {  	_ =	swait.ge [sflag:s25], $0x4000  }
0x51: {  	[sflag:s25] =	ssyncset.done $0x0  }
0x52: {  	[sflag:s25] =	ssyncadd.s32 $0xFFFFC000  }
0x53: {  	_ =	swait.ge [sflag:s29], $0x80  }
0x54: {  	[sflag:s29] =	ssyncset.done $0x0  }
0x55: {  	s0 =	sadd.s32 s0, s22;
	[sflag:s29] =	ssyncadd.s32 $0xFFFFFF80  }
0x56: {  	[tilespmem:s2], [sflag:$0x1] =	stream.linear.gather [hbm4b:s0+s2], $0x80, $0x38;
	[tilespmem:$0x18100] =	vst v63  }
.Ltmp0:
0x57: {  	_ = 	snop;
	(pc) =	sbr.rel @p0 .LBB2_2-.Ltmp0, $4  }
0x58: {  	_ = 	snop  }
0x59: {  	[spmem:s1] =	stream.indirect.scatter.add.f32 [tilespmem:s24], [sflag:$0x3], $0x80, s28, s28, $0xb8;
	[tilespmem:$0x18100] =	vst v63  }
0x5a: {  	_ =	swait.ge [sflag:s25], $0x4000  }
0x5b: {  	[sflag:s25] =	ssyncset.done $0x0  }
0x5c: {  	[sflag:s25] =	ssyncadd.s32 $0xFFFFC000  }
0x5d: {  	_ =	swait.ge [sflag:s26], $0x80  }
0x5e: {  	[sflag:s26] =	ssyncset.done $0x0  }
0x5f: {  	[sflag:s26] =	ssyncadd.s32 $0xFFFFFF80  }
0x60: {  	[spmem:s1] =	stream.indirect.scatter.add.f32 [tilespmem:s24], [sflag:$0x3], $0x80, s2, s28, $0xb8;
	[tilespmem:$0x18100] =	vst v63  }
0x61: {  	_ =	swait.ge [sflag:s25], $0x4000  }
0x62: {  	[sflag:s25] =	ssyncset.done $0x0  }
0x63: {  	[sflag:s25] =	ssyncadd.s32 $0xFFFFC000  }
0x64: {  	[bflag:$0x0] =	sbarrier.arrive $0xFFFF  }
0x65: {  	[tilespmem:s24], [sflag:$0x3] =	stream.linear.gather [spmem:s6], $0x4000, $0x38;
	[tilespmem:$0x18100] =	vst v63  }
0x66: {  	_ =	swait.ge [sflag:s25], $0x4000  }
0x67: {  	[sflag:s25] =	ssyncset.done $0x0  }
0x68: {  	[sflag:s25] =	ssyncadd.s32 $0xFFFFC000  }
0x69: {  	[hbm4b:s13+s2] =	stream.linear.scatter [tilespmem:s24], [sflag:$0x3], $0x4000, $0x38;
	[tilespmem:$0x18100] =	vst v63  }
0x6a: {  	_ =	swait.ge [sflag:s25], $0x4000  }
0x6b: {  	[sflag:s25] =	ssyncset.done $0x0  }
0x6c: {  	[sflag:s25] =	ssyncadd.s32 $0xFFFFC000  }
0x6d: {  	[tilespmem:s24], [sflag:$0x3] =	stream.linear.gather [spmem:s14], $0x4000, $0x38;
	[tilespmem:$0x18100] =	vst v63  }
0x6e: {  	_ =	swait.ge [sflag:s25], $0x4000  }
0x6f: {  	[sflag:s25] =	ssyncset.done $0x0  }
0x70: {  	[sflag:s25] =	ssyncadd.s32 $0xFFFFC000  }
0x71: {  	[hbm4b:s15+s2] =	stream.linear.scatter [tilespmem:s24], [sflag:$0x3], $0x4000, $0x38;
	[tilespmem:$0x18100] =	vst v63  }
0x72: {  	_ =	swait.ge [sflag:s25], $0x4000  }
0x73: {  	[sflag:s25] =	ssyncset.done $0x0  }
0x74: {  	[sflag:s25] =	ssyncadd.s32 $0xFFFFC000  }
0x75: {  	[tilespmem:s24], [sflag:$0x3] =	stream.linear.gather [spmem:s16], $0x4000, $0x38;
	[tilespmem:$0x18100] =	vst v63  }
0x76: {  	_ =	swait.ge [sflag:s25], $0x4000  }
0x77: {  	[sflag:s25] =	ssyncset.done $0x0  }
0x78: {  	[sflag:s25] =	ssyncadd.s32 $0xFFFFC000  }
0x79: {  	[hbm4b:s17+s2] =	stream.linear.scatter [tilespmem:s24], [sflag:$0x3], $0x4000, $0x38;
	[tilespmem:$0x18100] =	vst v63  }
0x7a: {  	_ =	swait.ge [sflag:s25], $0x4000  }
0x7b: {  	[sflag:s25] =	ssyncset.done $0x0  }
0x7c: {  	[sflag:s25] =	ssyncadd.s32 $0xFFFFC000  }
0x7d: {  	[tilespmem:s24], [sflag:$0x3] =	stream.linear.gather [spmem:s18], $0x4000, $0x38;
	[tilespmem:$0x18100] =	vst v63  }
0x7e: {  	_ =	swait.ge [sflag:s25], $0x4000  }
0x7f: {  	[sflag:s25] =	ssyncset.done $0x0  }
0x80: {  	[sflag:s25] =	ssyncadd.s32 $0xFFFFC000  }
0x81: {  	[hbm4b:s19+s2] =	stream.linear.scatter [tilespmem:s24], [sflag:$0x3], $0x4000, $0x38;
	[tilespmem:$0x18100] =	vst v63  }
0x82: {  	_ =	swait.ge [sflag:s25], $0x4000  }
0x83: {  	[sflag:s25] =	ssyncset.done $0x0  }
0x84: {  	[sflag:s25] =	ssyncadd.s32 $0xFFFFC000  }
0x85: {  	[tilespmem:s24], [sflag:$0x3] =	stream.linear.gather [spmem:s20], $0x4000, $0x38;
	[tilespmem:$0x18100] =	vst v63  }
0x86: {  	s30 =	sadd.s32 $0x1, s30;
	_ =	swait.ge [sflag:s25], $0x4000  }
0x87: {  	p0 =	sne.s32 s30, s8;
	[sflag:s25] =	ssyncset.done $0x0  }
.Ltmp1:
0x88: {  	[sflag:s25] =	ssyncadd.s32 $0xFFFFC000;
	(pc) =	sbr.rel @p0 .LBB2_1-.Ltmp1, $4  }
0x89: {  	[hbm4b:s21+s2] =	stream.linear.scatter [tilespmem:s24], [sflag:$0x3], $0x4000, $0x38;
	[tilespmem:$0x18100] =	vst v63  }
0x8a: {  	_ =	swait.ge [sflag:s25], $0x4000  }
0x8b: {  	[sflag:s25] =	ssyncset.done $0x0  }
0x8c: {  	[sflag:s25] =	ssyncadd.s32 $0xFFFFC000  }
0x8d: {  	_ =	sfence.sel $0x180000  }
0x8e: {  	[bflag:$0x0] =	sbarrier.arrive $0xFFFF  }
0x8f: {  	_ =	strace $0x9000004A  }
0x90: {  	s0 =	stileid.u32;
	[bflag:$0x2] =	sbarrier.arrive $0xFFFF  }
0x91: {  	p0 =	sne.s32 s0, $0x0;
	s0 =	rddreg [dreg:$0x2]  }
0x92: {  	s0 =	sadd.s32 @!p0 $0x100000, s0  }
0x93: {  	[sflag:s0] =	ssyncadd.tile.s32 @!p0 $0x1;
	_ =	shalt  }
.Lfunc_end2:
_tile_overlayer_lowered:
.L_overlay_start_2:
0x94: {  	(tag) =	ssettag $0x2  }
0x95: {  	s0 =	rddreg [dreg:$0x0];
	s2 =	stileid.u32  }
0x96: {  	s1 =	rddreg [dreg:$0x1];
	p0 =	sne.s32 s2, $0x0  }
0x97: {  	s3 =	rddreg [dreg:$0x2];
	[bflag:$0x3] =	sbarrier.arrive $0xFFFF;
	s2 =	simm.s32 @!p0 $0x1C03  }
0x98: {  	[timem:s3], [sflag:s2] =	dma.local @!p0 [hbm:s0], s1  }
0x99: {  	s0 =	simm.s32 @!p0 $0x3  }
0x9a: {  	_ =	swait.ge @!p0 [sflag:s0], s1  }
0x9b: {  	s1 =	ssub.s32 @!p0 $0x0, s1;
	[sflag:s0] =	ssyncset.done @!p0 $0x0  }
0x9c: {  	[sflag:s0] =	ssyncadd.s32 @!p0 s1  }
0x9d: {  	[bflag:$0x3] =	sbarrier.arrive $0xFFFF  }
0x9e: {  	_ =	shalt  }

</sc_bundles>
